<compile_context>
chip_gen: v7x
topology: tpu7x:2x2x1
jax: 0.10.2.dev20260603
libtpu: 0.0.44.dev20260713+nightly
codegen_flags: <defaults>
</compile_context>

<pallas_src>
import functools

import numpy as np
import jax
from jax import lax
import jax.numpy as jnp
from jax.experimental import pallas as pl
from jax.experimental.pallas import tpu as pltpu
from jax.experimental.pallas import tpu_sc as plsc

_NUM_IMGS = 128
_GLOBAL_SIZE = 32
_SEED = 41

_SLAB = 2048 * 256
_COLS = 256
_ROWS = _SLAB // _COLS
_BIG = 248
_CHUNKS = tuple((i * _BIG, _BIG) for i in range(8)) + ((8 * _BIG, 64),)
_NBUF = 2
_NC = 2

_ROTS = ((13, 15, 26, 6), (17, 29, 16, 24))


def _rotl(x, d):
    return ((x << np.uint32(d)) | (x >> np.uint32(32 - d))).astype(np.uint32)


def _hash2x32(k1, k2, x0, x1):
    x = [x0.astype(np.uint32), x1.astype(np.uint32)]
    ks = [np.uint32(k1), np.uint32(k2),
          np.uint32(k1) ^ np.uint32(k2) ^ np.uint32(0x1BD11BDA)]
    x[0] = (x[0] + ks[0]).astype(np.uint32)
    x[1] = (x[1] + ks[1]).astype(np.uint32)
    for i in range(5):
        for r in _ROTS[i % 2]:
            x[0] = (x[0] + x[1]).astype(np.uint32)
            x[1] = _rotl(x[1], r) ^ x[0]
        x[0] = (x[0] + ks[(i + 1) % 3]).astype(np.uint32)
        x[1] = (x[1] + ks[(i + 2) % 3] + np.uint32(i + 1)).astype(np.uint32)
    return x[0], x[1]


def _random_bits32(key, n):
    b1, b2 = _hash2x32(key[0], key[1],
                       np.zeros(n, np.uint32), np.arange(n, dtype=np.uint32))
    return b1 ^ b2


@functools.lru_cache(maxsize=1)
def _sampled_indices() -> tuple[int, ...]:
    key = np.array([_SEED >> 32, _SEED & 0xFFFFFFFF], dtype=np.uint32)
    b1, b2 = _hash2x32(key[0], key[1],
                       np.zeros(2, np.uint32), np.arange(2, dtype=np.uint32))
    k1, k2 = np.stack([b1, b2], axis=1)
    higher = _random_bits32(k1, _GLOBAL_SIZE)
    lower = _random_bits32(k2, _GLOBAL_SIZE)
    span = np.uint32(_NUM_IMGS)
    mult = np.uint32((((2 ** 16) % int(span)) ** 2) % int(span))
    off = ((higher % span) * mult + (lower % span)).astype(np.uint32)
    off = (off % span).astype(np.int32)
    return tuple(int(v) for v in np.sort(off))


def _tec_body(x_hbm, out_hbm, buf, g0, g1, g2, s0, s1, s2):
    gsem = (g0, g1, g2)
    ssem = (s0, s1, s2)
    cid = lax.axis_index("c")
    sid = lax.axis_index("s")
    w = sid * _NC + cid
    src = jnp.int32(0)
    for i, v in enumerate(_sampled_indices()):
        src = lax.select(w == i, jnp.int32(v), src)
    src_row0 = src * _ROWS
    dst_row0 = w * _ROWS

    nchunk = len(_CHUNKS)

    def gather(ch, b):
        off, rows = _CHUNKS[ch]
        return pltpu.make_async_copy(
            x_hbm.at[pl.ds(src_row0 + off, rows)],
            buf.at[b].at[pl.ds(0, rows)], gsem[b])

    def scatter(ch, b):
        off, rows = _CHUNKS[ch]
        return pltpu.make_async_copy(
            buf.at[b].at[pl.ds(0, rows)],
            out_hbm.at[pl.ds(dst_row0 + off, rows)],
            ssem[b])

    for b in range(_NBUF):
        gather(b, b).start()
    for ch in range(nchunk):
        b = ch % _NBUF
        gather(ch, b).wait()
        scatter(ch, b).start()
        nxt = ch + _NBUF
        if nxt < nchunk:
            scatter(ch, b).wait()
            gather(nxt, b).start()
    for ch in range(nchunk - _NBUF, nchunk):
        scatter(ch, ch % _NBUF).wait()


def kernel(x):
    n, r, c = x.shape
    x2d = x.reshape(n * _ROWS, _COLS)
    out2d = pl.kernel(
        _tec_body,
        out_type=jax.ShapeDtypeStruct((_GLOBAL_SIZE * _ROWS, _COLS), x.dtype),
        mesh=plsc.VectorSubcoreMesh(core_axis_name="c", subcore_axis_name="s"),
        scratch_types=(
            [pltpu.VMEM((_NBUF, _BIG, _COLS), jnp.float32)]
            + [pltpu.SemaphoreType.DMA] * 6
        ),
    )(x2d)
    return out2d.reshape(_GLOBAL_SIZE, r, c)

# --- scband reference (transcript-rebuilt; emitter-appended) ---
"""Pipeline reference for scband-global-pool-random-sampler-3100966388129 (READ-ONLY COPY).

The authoritative reference and input builder live on the scoring server;
editing this copy changes nothing except your own understanding.
"""

import jax, jax.numpy as jnp
import numpy as np

NUM_IMGS = 128
GLOBAL_SIZE = 32
SEED = 41

def setup_inputs(seed: int = 0) -> dict:
    key = jax.random.key(seed)
    x = jax.random.normal(key, (NUM_IMGS, 2048, 256), dtype=jnp.float32)
    return {"x": x}

def reference(x):
    # torch: rand_seq = randint(0, num_imgs, (global_size,)); sort; stack gathered slices
    rkey = jax.random.key(SEED)
    rand_seq = jax.random.randint(rkey, (GLOBAL_SIZE,), 0, NUM_IMGS)
    rand_seq = jnp.sort(rand_seq)
    # gather along leading dim (equivalent to stacking x[rand_idx] for each idx)
    out = jnp.take(x, rand_seq, axis=0)
    return out

if __name__ == "__main__":
    import jax
    _d = setup_inputs()
    print(jax.jit(kernel)(*tuple(_d.values())))

</pallas_src>

<mosaic_0001>
#map = affine_map<(d0, d1) -> (0, 0)>
module attributes {stable_mosaic.version = 14 : i64} {
  func.func @_tec_body(%arg0: i32, %arg1: i32, %arg2: memref<262144x256xf32, #tpu.memory_space<hbm>>, %arg3: memref<65536x256xf32, #tpu.memory_space<hbm>>, %arg4: memref<2x248x256xf32, #tpu.memory_space<vmem>>, %arg5: memref<!tpu.dma_semaphore, #tpu.memory_space<semaphore_mem>>, %arg6: memref<!tpu.dma_semaphore, #tpu.memory_space<semaphore_mem>>, %arg7: memref<!tpu.dma_semaphore, #tpu.memory_space<semaphore_mem>>, %arg8: memref<!tpu.dma_semaphore, #tpu.memory_space<semaphore_mem>>, %arg9: memref<!tpu.dma_semaphore, #tpu.memory_space<semaphore_mem>>, %arg10: memref<!tpu.dma_semaphore, #tpu.memory_space<semaphore_mem>>) attributes {dimension_semantics = [#tpu.dimension_semantics<core_parallel>, #tpu.dimension_semantics<subcore_parallel>], iteration_bounds = array<i64: 2, 16>, scalar_prefetch = 0 : i64, scratch_operands = 7 : i64, tpu.core_type = #tpu.core_type<sc_vector_subcore>, window_params = [{transform_indices = #map}, {transform_indices = #map}]} {
    %mul3A = arith.constant 2 : i32
    %mul3A_0 = arith.muli %arg1, %mul3A : i32
    %add3A = arith.addi %mul3A_0, %arg0 : i32
    %eq3A = arith.constant 0 : i32
    %eq3A_1 = arith.cmpi eq, %add3A, %eq3A : i32
    %select_n3A = arith.constant 0 : i32
    %select_n3A_2 = arith.constant 0 : i32
    %select_n3A_3 = arith.select %eq3A_1, %select_n3A_2, %select_n3A : i32
    %eq3A_4 = arith.constant 1 : i32
    %eq3A_5 = arith.cmpi eq, %add3A, %eq3A_4 : i32
    %select_n3A_6 = arith.constant 4 : i32
    %select_n3A_7 = arith.select %eq3A_5, %select_n3A_6, %select_n3A_3 : i32
    %eq3A_8 = arith.constant 2 : i32
    %eq3A_9 = arith.cmpi eq, %add3A, %eq3A_8 : i32
    %select_n3A_10 = arith.constant 10 : i32
    %select_n3A_11 = arith.select %eq3A_9, %select_n3A_10, %select_n3A_7 : i32
    %eq3A_12 = arith.constant 3 : i32
    %eq3A_13 = arith.cmpi eq, %add3A, %eq3A_12 : i32
    %select_n3A_14 = arith.constant 24 : i32
    %select_n3A_15 = arith.select %eq3A_13, %select_n3A_14, %select_n3A_11 : i32
    %eq3A_16 = arith.constant 4 : i32
    %eq3A_17 = arith.cmpi eq, %add3A, %eq3A_16 : i32
    %select_n3A_18 = arith.constant 27 : i32
    %select_n3A_19 = arith.select %eq3A_17, %select_n3A_18, %select_n3A_15 : i32
    %eq3A_20 = arith.constant 5 : i32
    %eq3A_21 = arith.cmpi eq, %add3A, %eq3A_20 : i32
    %select_n3A_22 = arith.constant 30 : i32
    %select_n3A_23 = arith.select %eq3A_21, %select_n3A_22, %select_n3A_19 : i32
    %eq3A_24 = arith.constant 6 : i32
    %eq3A_25 = arith.cmpi eq, %add3A, %eq3A_24 : i32
    %select_n3A_26 = arith.constant 32 : i32
    %select_n3A_27 = arith.select %eq3A_25, %select_n3A_26, %select_n3A_23 : i32
    %eq3A_28 = arith.constant 7 : i32
    %eq3A_29 = arith.cmpi eq, %add3A, %eq3A_28 : i32
    %select_n3A_30 = arith.constant 39 : i32
    %select_n3A_31 = arith.select %eq3A_29, %select_n3A_30, %select_n3A_27 : i32
    %eq3A_32 = arith.constant 8 : i32
    %eq3A_33 = arith.cmpi eq, %add3A, %eq3A_32 : i32
    %select_n3A_34 = arith.constant 48 : i32
    %select_n3A_35 = arith.select %eq3A_33, %select_n3A_34, %select_n3A_31 : i32
    %eq3A_36 = arith.constant 9 : i32
    %eq3A_37 = arith.cmpi eq, %add3A, %eq3A_36 : i32
    %select_n3A_38 = arith.constant 50 : i32
    %select_n3A_39 = arith.select %eq3A_37, %select_n3A_38, %select_n3A_35 : i32
    %eq3A_40 = arith.constant 10 : i32
    %eq3A_41 = arith.cmpi eq, %add3A, %eq3A_40 : i32
    %select_n3A_42 = arith.constant 60 : i32
    %select_n3A_43 = arith.select %eq3A_41, %select_n3A_42, %select_n3A_39 : i32
    %eq3A_44 = arith.constant 11 : i32
    %eq3A_45 = arith.cmpi eq, %add3A, %eq3A_44 : i32
    %select_n3A_46 = arith.constant 63 : i32
    %select_n3A_47 = arith.select %eq3A_45, %select_n3A_46, %select_n3A_43 : i32
    %eq3A_48 = arith.constant 12 : i32
    %eq3A_49 = arith.cmpi eq, %add3A, %eq3A_48 : i32
    %select_n3A_50 = arith.constant 67 : i32
    %select_n3A_51 = arith.select %eq3A_49, %select_n3A_50, %select_n3A_47 : i32
    %eq3A_52 = arith.constant 13 : i32
    %eq3A_53 = arith.cmpi eq, %add3A, %eq3A_52 : i32
    %select_n3A_54 = arith.constant 71 : i32
    %select_n3A_55 = arith.select %eq3A_53, %select_n3A_54, %select_n3A_51 : i32
    %eq3A_56 = arith.constant 14 : i32
    %eq3A_57 = arith.cmpi eq, %add3A, %eq3A_56 : i32
    %select_n3A_58 = arith.constant 74 : i32
    %select_n3A_59 = arith.select %eq3A_57, %select_n3A_58, %select_n3A_55 : i32
    %eq3A_60 = arith.constant 15 : i32
    %eq3A_61 = arith.cmpi eq, %add3A, %eq3A_60 : i32
    %select_n3A_62 = arith.constant 76 : i32
    %select_n3A_63 = arith.select %eq3A_61, %select_n3A_62, %select_n3A_59 : i32
    %eq3A_64 = arith.constant 16 : i32
    %eq3A_65 = arith.cmpi eq, %add3A, %eq3A_64 : i32
    %select_n3A_66 = arith.constant 95 : i32
    %select_n3A_67 = arith.select %eq3A_65, %select_n3A_66, %select_n3A_63 : i32
    %eq3A_68 = arith.constant 17 : i32
    %eq3A_69 = arith.cmpi eq, %add3A, %eq3A_68 : i32
    %select_n3A_70 = arith.constant 96 : i32
    %select_n3A_71 = arith.select %eq3A_69, %select_n3A_70, %select_n3A_67 : i32
    %eq3A_72 = arith.constant 18 : i32
    %eq3A_73 = arith.cmpi eq, %add3A, %eq3A_72 : i32
    %select_n3A_74 = arith.constant 96 : i32
    %select_n3A_75 = arith.select %eq3A_73, %select_n3A_74, %select_n3A_71 : i32
    %eq3A_76 = arith.constant 19 : i32
    %eq3A_77 = arith.cmpi eq, %add3A, %eq3A_76 : i32
    %select_n3A_78 = arith.constant 98 : i32
    %select_n3A_79 = arith.select %eq3A_77, %select_n3A_78, %select_n3A_75 : i32
    %eq3A_80 = arith.constant 20 : i32
    %eq3A_81 = arith.cmpi eq, %add3A, %eq3A_80 : i32
    %select_n3A_82 = arith.constant 103 : i32
    %select_n3A_83 = arith.select %eq3A_81, %select_n3A_82, %select_n3A_79 : i32
    %eq3A_84 = arith.constant 21 : i32
    %eq3A_85 = arith.cmpi eq, %add3A, %eq3A_84 : i32
    %select_n3A_86 = arith.constant 106 : i32
    %select_n3A_87 = arith.select %eq3A_85, %select_n3A_86, %select_n3A_83 : i32
    %eq3A_88 = arith.constant 22 : i32
    %eq3A_89 = arith.cmpi eq, %add3A, %eq3A_88 : i32
    %select_n3A_90 = arith.constant 111 : i32
    %select_n3A_91 = arith.select %eq3A_89, %select_n3A_90, %select_n3A_87 : i32
    %eq3A_92 = arith.constant 23 : i32
    %eq3A_93 = arith.cmpi eq, %add3A, %eq3A_92 : i32
    %select_n3A_94 = arith.constant 112 : i32
    %select_n3A_95 = arith.select %eq3A_93, %select_n3A_94, %select_n3A_91 : i32
    %eq3A_96 = arith.constant 24 : i32
    %eq3A_97 = arith.cmpi eq, %add3A, %eq3A_96 : i32
    %select_n3A_98 = arith.constant 114 : i32
    %select_n3A_99 = arith.select %eq3A_97, %select_n3A_98, %select_n3A_95 : i32
    %eq3A_100 = arith.constant 25 : i32
    %eq3A_101 = arith.cmpi eq, %add3A, %eq3A_100 : i32
    %select_n3A_102 = arith.constant 117 : i32
    %select_n3A_103 = arith.select %eq3A_101, %select_n3A_102, %select_n3A_99 : i32
    %eq3A_104 = arith.constant 26 : i32
    %eq3A_105 = arith.cmpi eq, %add3A, %eq3A_104 : i32
    %select_n3A_106 = arith.constant 117 : i32
    %select_n3A_107 = arith.select %eq3A_105, %select_n3A_106, %select_n3A_103 : i32
    %eq3A_108 = arith.constant 27 : i32
    %eq3A_109 = arith.cmpi eq, %add3A, %eq3A_108 : i32
    %select_n3A_110 = arith.constant 119 : i32
    %select_n3A_111 = arith.select %eq3A_109, %select_n3A_110, %select_n3A_107 : i32
    %eq3A_112 = arith.constant 28 : i32
    %eq3A_113 = arith.cmpi eq, %add3A, %eq3A_112 : i32
    %select_n3A_114 = arith.constant 120 : i32
    %select_n3A_115 = arith.select %eq3A_113, %select_n3A_114, %select_n3A_111 : i32
    %eq3A_116 = arith.constant 29 : i32
    %eq3A_117 = arith.cmpi eq, %add3A, %eq3A_116 : i32
    %select_n3A_118 = arith.constant 120 : i32
    %select_n3A_119 = arith.select %eq3A_117, %select_n3A_118, %select_n3A_115 : i32
    %eq3A_120 = arith.constant 30 : i32
    %eq3A_121 = arith.cmpi eq, %add3A, %eq3A_120 : i32
    %select_n3A_122 = arith.constant 123 : i32
    %select_n3A_123 = arith.select %eq3A_121, %select_n3A_122, %select_n3A_119 : i32
    %eq3A_124 = arith.constant 31 : i32
    %eq3A_125 = arith.cmpi eq, %add3A, %eq3A_124 : i32
    %select_n3A_126 = arith.constant 125 : i32
    %select_n3A_127 = arith.select %eq3A_125, %select_n3A_126, %select_n3A_123 : i32
    %mul3A_128 = arith.constant 2048 : i32
    %mul3A_129 = arith.muli %select_n3A_127, %mul3A_128 : i32
    %mul3A_130 = arith.constant 2048 : i32
    %mul3A_131 = arith.muli %add3A, %mul3A_130 : i32
    %add3A_132 = arith.constant 0 : i32
    %add3A_133 = arith.addi %mul3A_129, %add3A_132 : i32
    %dma_start3A = arith.constant 0 : i32
    %dma_start3A_134 = arith.constant 0 : i32
    %dma_start3A_135 = arith.constant 0 : i32
    %dma_start3A_136 = tpu.memref_slice %arg4[%dma_start3A, %dma_start3A_134, %dma_start3A_135] : memref<2x248x256xf32, #tpu.memory_space<vmem>> -> memref<1x248x256xf32, #tpu.memory_space<vmem>>
    %dma_start3A_137 = tpu.memref_squeeze %dma_start3A_136 : memref<1x248x256xf32, #tpu.memory_space<vmem>> -> memref<248x256xf32, #tpu.memory_space<vmem>>
    %dma_start3A_138 = arith.constant 0 : i32
    %dma_start3A_139 = arith.constant 0 : i32
    %dma_start3A_140 = tpu.memref_slice %dma_start3A_137[%dma_start3A_138, %dma_start3A_139] : memref<248x256xf32, #tpu.memory_space<vmem>> -> memref<248x256xf32, #tpu.memory_space<vmem>>
    %dma_start3A_141 = arith.constant 0 : i32
    %dma_start3A_142 = tpu.memref_slice %arg2[%add3A_133, %dma_start3A_141] : memref<262144x256xf32, #tpu.memory_space<hbm>> -> memref<248x256xf32, #tpu.memory_space<hbm>>
    %dma_start3A_143 = arith.constant 0 : i32
    %dma_start3A_144 = arith.constant 0 : i32
    %dma_start3A_145 = tpu.memref_slice %arg4[%dma_start3A, %dma_start3A_143, %dma_start3A_144] : memref<2x248x256xf32, #tpu.memory_space<vmem>> -> memref<1x248x256xf32, #tpu.memory_space<vmem>>
    %dma_start3A_146 = tpu.memref_squeeze %dma_start3A_145 : memref<1x248x256xf32, #tpu.memory_space<vmem>> -> memref<248x256xf32, #tpu.memory_space<vmem>>
    %dma_start3A_147 = arith.constant 0 : i32
    %dma_start3A_148 = arith.constant 0 : i32
    %dma_start3A_149 = tpu.memref_slice %dma_start3A_146[%dma_start3A_147, %dma_start3A_148] : memref<248x256xf32, #tpu.memory_space<vmem>> -> memref<248x256xf32, #tpu.memory_space<vmem>>
    %dma_start3A_150 = arith.constant 0 : i32
    %dma_start3A_151 = tpu.memref_slice %arg2[%add3A_133, %dma_start3A_150] : memref<262144x256xf32, #tpu.memory_space<hbm>> -> memref<248x256xf32, #tpu.memory_space<hbm>>
    tpu.enqueue_dma source(%dma_start3A_151 : memref<248x256xf32, #tpu.memory_space<hbm>>) target(%dma_start3A_149 : memref<248x256xf32, #tpu.memory_space<vmem>>) target_semaphore(%arg5 : memref<!tpu.dma_semaphore, #tpu.memory_space<semaphore_mem>>)
    %add3A_152 = arith.constant 248 : i32
    %add3A_153 = arith.addi %mul3A_129, %add3A_152 : i32
    %dma_start3A_154 = arith.constant 1 : i32
    %dma_start3A_155 = arith.constant 0 : i32
    %dma_start3A_156 = arith.constant 0 : i32
    %dma_start3A_157 = tpu.memref_slice %arg4[%dma_start3A_154, %dma_start3A_155, %dma_start3A_156] : memref<2x248x256xf32, #tpu.memory_space<vmem>> -> memref<1x248x256xf32, #tpu.memory_space<vmem>>
    %dma_start3A_158 = tpu.memref_squeeze %dma_start3A_157 : memref<1x248x256xf32, #tpu.memory_space<vmem>> -> memref<248x256xf32, #tpu.memory_space<vmem>>
    %dma_start3A_159 = arith.constant 0 : i32
    %dma_start3A_160 = arith.constant 0 : i32
    %dma_start3A_161 = tpu.memref_slice %dma_start3A_158[%dma_start3A_159, %dma_start3A_160] : memref<248x256xf32, #tpu.memory_space<vmem>> -> memref<248x256xf32, #tpu.memory_space<vmem>>
    %dma_start3A_162 = arith.constant 0 : i32
    %dma_start3A_163 = tpu.memref_slice %arg2[%add3A_153, %dma_start3A_162] : memref<262144x256xf32, #tpu.memory_space<hbm>> -> memref<248x256xf32, #tpu.memory_space<hbm>>
    %dma_start3A_164 = arith.constant 0 : i32
    %dma_start3A_165 = arith.constant 0 : i32
    %dma_start3A_166 = tpu.memref_slice %arg4[%dma_start3A_154, %dma_start3A_164, %dma_start3A_165] : memref<2x248x256xf32, #tpu.memory_space<vmem>> -> memref<1x248x256xf32, #tpu.memory_space<vmem>>
    %dma_start3A_167 = tpu.memref_squeeze %dma_start3A_166 : memref<1x248x256xf32, #tpu.memory_space<vmem>> -> memref<248x256xf32, #tpu.memory_space<vmem>>
    %dma_start3A_168 = arith.constant 0 : i32
    %dma_start3A_169 = arith.constant 0 : i32
    %dma_start3A_170 = tpu.memref_slice %dma_start3A_167[%dma_start3A_168, %dma_start3A_169] : memref<248x256xf32, #tpu.memory_space<vmem>> -> memref<248x256xf32, #tpu.memory_space<vmem>>
    %dma_start3A_171 = arith.constant 0 : i32
    %dma_start3A_172 = tpu.memref_slice %arg2[%add3A_153, %dma_start3A_171] : memref<262144x256xf32, #tpu.memory_space<hbm>> -> memref<248x256xf32, #tpu.memory_space<hbm>>
    tpu.enqueue_dma source(%dma_start3A_172 : memref<248x256xf32, #tpu.memory_space<hbm>>) target(%dma_start3A_170 : memref<248x256xf32, #tpu.memory_space<vmem>>) target_semaphore(%arg6 : memref<!tpu.dma_semaphore, #tpu.memory_space<semaphore_mem>>)
    %add3A_173 = arith.constant 0 : i32
    %add3A_174 = arith.addi %mul3A_129, %add3A_173 : i32
    %dma_wait3A = arith.constant 0 : i32
    %dma_wait3A_175 = arith.constant 0 : i32
    %dma_wait3A_176 = arith.constant 0 : i32
    %dma_wait3A_177 = tpu.memref_slice %arg4[%dma_wait3A, %dma_wait3A_175, %dma_wait3A_176] : memref<2x248x256xf32, #tpu.memory_space<vmem>> -> memref<1x248x256xf32, #tpu.memory_space<vmem>>
    %dma_wait3A_178 = tpu.memref_squeeze %dma_wait3A_177 : memref<1x248x256xf32, #tpu.memory_space<vmem>> -> memref<248x256xf32, #tpu.memory_space<vmem>>
    %dma_wait3A_179 = arith.constant 0 : i32
    %dma_wait3A_180 = arith.constant 0 : i32
    %dma_wait3A_181 = tpu.memref_slice %dma_wait3A_178[%dma_wait3A_179, %dma_wait3A_180] : memref<248x256xf32, #tpu.memory_space<vmem>> -> memref<248x256xf32, #tpu.memory_space<vmem>>
    %dma_wait3A_182 = arith.constant 0 : i32
    %dma_wait3A_183 = tpu.memref_slice %arg2[%add3A_174, %dma_wait3A_182] : memref<262144x256xf32, #tpu.memory_space<hbm>> -> memref<248x256xf32, #tpu.memory_space<hbm>>
    %dma_wait3A_184 = arith.constant 0 : i32
    %dma_wait3A_185 = arith.constant 0 : i32
    %dma_wait3A_186 = tpu.memref_slice %arg4[%dma_wait3A, %dma_wait3A_184, %dma_wait3A_185] : memref<2x248x256xf32, #tpu.memory_space<vmem>> -> memref<1x248x256xf32, #tpu.memory_space<vmem>>
    %dma_wait3A_187 = tpu.memref_squeeze %dma_wait3A_186 : memref<1x248x256xf32, #tpu.memory_space<vmem>> -> memref<248x256xf32, #tpu.memory_space<vmem>>
    %dma_wait3A_188 = arith.constant 0 : i32
    %dma_wait3A_189 = arith.constant 0 : i32
    %dma_wait3A_190 = tpu.memref_slice %dma_wait3A_187[%dma_wait3A_188, %dma_wait3A_189] : memref<248x256xf32, #tpu.memory_space<vmem>> -> memref<248x256xf32, #tpu.memory_space<vmem>>
    %dma_wait3A_191 = arith.constant 0 : i32
    %dma_wait3A_192 = tpu.memref_slice %arg2[%add3A_174, %dma_wait3A_191] : memref<262144x256xf32, #tpu.memory_space<hbm>> -> memref<248x256xf32, #tpu.memory_space<hbm>>
    tpu.wait_dma2 semaphore(%arg5 : memref<!tpu.dma_semaphore, #tpu.memory_space<semaphore_mem>>) src(%dma_wait3A_192 : memref<248x256xf32, #tpu.memory_space<hbm>>) dst(%dma_wait3A_190 : memref<248x256xf32, #tpu.memory_space<vmem>>)
    %add3A_193 = arith.constant 0 : i32
    %add3A_194 = arith.addi %mul3A_131, %add3A_193 : i32
    %dma_start3A_195 = arith.constant 0 : i32
    %dma_start3A_196 = arith.constant 0 : i32
    %dma_start3A_197 = arith.constant 0 : i32
    %dma_start3A_198 = tpu.memref_slice %arg4[%dma_start3A_195, %dma_start3A_196, %dma_start3A_197] : memref<2x248x256xf32, #tpu.memory_space<vmem>> -> memref<1x248x256xf32, #tpu.memory_space<vmem>>
    %dma_start3A_199 = tpu.memref_squeeze %dma_start3A_198 : memref<1x248x256xf32, #tpu.memory_space<vmem>> -> memref<248x256xf32, #tpu.memory_space<vmem>>
    %dma_start3A_200 = arith.constant 0 : i32
    %dma_start3A_201 = arith.constant 0 : i32
    %dma_start3A_202 = tpu.memref_slice %dma_start3A_199[%dma_start3A_200, %dma_start3A_201] : memref<248x256xf32, #tpu.memory_space<vmem>> -> memref<248x256xf32, #tpu.memory_space<vmem>>
    %dma_start3A_203 = arith.constant 0 : i32
    %dma_start3A_204 = tpu.memref_slice %arg3[%add3A_194, %dma_start3A_203] : memref<65536x256xf32, #tpu.memory_space<hbm>> -> memref<248x256xf32, #tpu.memory_space<hbm>>
    %dma_start3A_205 = arith.constant 0 : i32
    %dma_start3A_206 = tpu.memref_slice %arg3[%add3A_194, %dma_start3A_205] : memref<65536x256xf32, #tpu.memory_space<hbm>> -> memref<248x256xf32, #tpu.memory_space<hbm>>
    %dma_start3A_207 = arith.constant 0 : i32
    %dma_start3A_208 = arith.constant 0 : i32
    %dma_start3A_209 = tpu.memref_slice %arg4[%dma_start3A_195, %dma_start3A_207, %dma_start3A_208] : memref<2x248x256xf32, #tpu.memory_space<vmem>> -> memref<1x248x256xf32, #tpu.memory_space<vmem>>
    %dma_start3A_210 = tpu.memref_squeeze %dma_start3A_209 : memref<1x248x256xf32, #tpu.memory_space<vmem>> -> memref<248x256xf32, #tpu.memory_space<vmem>>
    %dma_start3A_211 = arith.constant 0 : i32
    %dma_start3A_212 = arith.constant 0 : i32
    %dma_start3A_213 = tpu.memref_slice %dma_start3A_210[%dma_start3A_211, %dma_start3A_212] : memref<248x256xf32, #tpu.memory_space<vmem>> -> memref<248x256xf32, #tpu.memory_space<vmem>>
    tpu.enqueue_dma source(%dma_start3A_213 : memref<248x256xf32, #tpu.memory_space<vmem>>) target(%dma_start3A_206 : memref<248x256xf32, #tpu.memory_space<hbm>>) target_semaphore(%arg8 : memref<!tpu.dma_semaphore, #tpu.memory_space<semaphore_mem>>)
    %add3A_214 = arith.constant 0 : i32
    %add3A_215 = arith.addi %mul3A_131, %add3A_214 : i32
    %dma_wait3A_216 = arith.constant 0 : i32
    %dma_wait3A_217 = arith.constant 0 : i32
    %dma_wait3A_218 = arith.constant 0 : i32
    %dma_wait3A_219 = tpu.memref_slice %arg4[%dma_wait3A_216, %dma_wait3A_217, %dma_wait3A_218] : memref<2x248x256xf32, #tpu.memory_space<vmem>> -> memref<1x248x256xf32, #tpu.memory_space<vmem>>
    %dma_wait3A_220 = tpu.memref_squeeze %dma_wait3A_219 : memref<1x248x256xf32, #tpu.memory_space<vmem>> -> memref<248x256xf32, #tpu.memory_space<vmem>>
    %dma_wait3A_221 = arith.constant 0 : i32
    %dma_wait3A_222 = arith.constant 0 : i32
    %dma_wait3A_223 = tpu.memref_slice %dma_wait3A_220[%dma_wait3A_221, %dma_wait3A_222] : memref<248x256xf32, #tpu.memory_space<vmem>> -> memref<248x256xf32, #tpu.memory_space<vmem>>
    %dma_wait3A_224 = arith.constant 0 : i32
    %dma_wait3A_225 = tpu.memref_slice %arg3[%add3A_215, %dma_wait3A_224] : memref<65536x256xf32, #tpu.memory_space<hbm>> -> memref<248x256xf32, #tpu.memory_space<hbm>>
    %dma_wait3A_226 = arith.constant 0 : i32
    %dma_wait3A_227 = tpu.memref_slice %arg3[%add3A_215, %dma_wait3A_226] : memref<65536x256xf32, #tpu.memory_space<hbm>> -> memref<248x256xf32, #tpu.memory_space<hbm>>
    %dma_wait3A_228 = arith.constant 0 : i32
    %dma_wait3A_229 = arith.constant 0 : i32
    %dma_wait3A_230 = tpu.memref_slice %arg4[%dma_wait3A_216, %dma_wait3A_228, %dma_wait3A_229] : memref<2x248x256xf32, #tpu.memory_space<vmem>> -> memref<1x248x256xf32, #tpu.memory_space<vmem>>
    %dma_wait3A_231 = tpu.memref_squeeze %dma_wait3A_230 : memref<1x248x256xf32, #tpu.memory_space<vmem>> -> memref<248x256xf32, #tpu.memory_space<vmem>>
    %dma_wait3A_232 = arith.constant 0 : i32
    %dma_wait3A_233 = arith.constant 0 : i32
    %dma_wait3A_234 = tpu.memref_slice %dma_wait3A_231[%dma_wait3A_232, %dma_wait3A_233] : memref<248x256xf32, #tpu.memory_space<vmem>> -> memref<248x256xf32, #tpu.memory_space<vmem>>
    tpu.wait_dma2 semaphore(%arg8 : memref<!tpu.dma_semaphore, #tpu.memory_space<semaphore_mem>>) src(%dma_wait3A_234 : memref<248x256xf32, #tpu.memory_space<vmem>>) dst(%dma_wait3A_227 : memref<248x256xf32, #tpu.memory_space<hbm>>)
    %add3A_235 = arith.constant 496 : i32
    %add3A_236 = arith.addi %mul3A_129, %add3A_235 : i32
    %dma_start3A_237 = arith.constant 0 : i32
    %dma_start3A_238 = arith.constant 0 : i32
    %dma_start3A_239 = arith.constant 0 : i32
    %dma_start3A_240 = tpu.memref_slice %arg4[%dma_start3A_237, %dma_start3A_238, %dma_start3A_239] : memref<2x248x256xf32, #tpu.memory_space<vmem>> -> memref<1x248x256xf32, #tpu.memory_space<vmem>>
    %dma_start3A_241 = tpu.memref_squeeze %dma_start3A_240 : memref<1x248x256xf32, #tpu.memory_space<vmem>> -> memref<248x256xf32, #tpu.memory_space<vmem>>
    %dma_start3A_242 = arith.constant 0 : i32
    %dma_start3A_243 = arith.constant 0 : i32
    %dma_start3A_244 = tpu.memref_slice %dma_start3A_241[%dma_start3A_242, %dma_start3A_243] : memref<248x256xf32, #tpu.memory_space<vmem>> -> memref<248x256xf32, #tpu.memory_space<vmem>>
    %dma_start3A_245 = arith.constant 0 : i32
    %dma_start3A_246 = tpu.memref_slice %arg2[%add3A_236, %dma_start3A_245] : memref<262144x256xf32, #tpu.memory_space<hbm>> -> memref<248x256xf32, #tpu.memory_space<hbm>>
    %dma_start3A_247 = arith.constant 0 : i32
    %dma_start3A_248 = arith.constant 0 : i32
    %dma_start3A_249 = tpu.memref_slice %arg4[%dma_start3A_237, %dma_start3A_247, %dma_start3A_248] : memref<2x248x256xf32, #tpu.memory_space<vmem>> -> memref<1x248x256xf32, #tpu.memory_space<vmem>>
    %dma_start3A_250 = tpu.memref_squeeze %dma_start3A_249 : memref<1x248x256xf32, #tpu.memory_space<vmem>> -> memref<248x256xf32, #tpu.memory_space<vmem>>
    %dma_start3A_251 = arith.constant 0 : i32
    %dma_start3A_252 = arith.constant 0 : i32
    %dma_start3A_253 = tpu.memref_slice %dma_start3A_250[%dma_start3A_251, %dma_start3A_252] : memref<248x256xf32, #tpu.memory_space<vmem>> -> memref<248x256xf32, #tpu.memory_space<vmem>>
    %dma_start3A_254 = arith.constant 0 : i32
    %dma_start3A_255 = tpu.memref_slice %arg2[%add3A_236, %dma_start3A_254] : memref<262144x256xf32, #tpu.memory_space<hbm>> -> memref<248x256xf32, #tpu.memory_space<hbm>>
    tpu.enqueue_dma source(%dma_start3A_255 : memref<248x256xf32, #tpu.memory_space<hbm>>) target(%dma_start3A_253 : memref<248x256xf32, #tpu.memory_space<vmem>>) target_semaphore(%arg5 : memref<!tpu.dma_semaphore, #tpu.memory_space<semaphore_mem>>)
    %add3A_256 = arith.constant 248 : i32
    %add3A_257 = arith.addi %mul3A_129, %add3A_256 : i32
    %dma_wait3A_258 = arith.constant 1 : i32
    %dma_wait3A_259 = arith.constant 0 : i32
    %dma_wait3A_260 = arith.constant 0 : i32
    %dma_wait3A_261 = tpu.memref_slice %arg4[%dma_wait3A_258, %dma_wait3A_259, %dma_wait3A_260] : memref<2x248x256xf32, #tpu.memory_space<vmem>> -> memref<1x248x256xf32, #tpu.memory_space<vmem>>
    %dma_wait3A_262 = tpu.memref_squeeze %dma_wait3A_261 : memref<1x248x256xf32, #tpu.memory_space<vmem>> -> memref<248x256xf32, #tpu.memory_space<vmem>>
    %dma_wait3A_263 = arith.constant 0 : i32
    %dma_wait3A_264 = arith.constant 0 : i32
    %dma_wait3A_265 = tpu.memref_slice %dma_wait3A_262[%dma_wait3A_263, %dma_wait3A_264] : memref<248x256xf32, #tpu.memory_space<vmem>> -> memref<248x256xf32, #tpu.memory_space<vmem>>
    %dma_wait3A_266 = arith.constant 0 : i32
    %dma_wait3A_267 = tpu.memref_slice %arg2[%add3A_257, %dma_wait3A_266] : memref<262144x256xf32, #tpu.memory_space<hbm>> -> memref<248x256xf32, #tpu.memory_space<hbm>>
    %dma_wait3A_268 = arith.constant 0 : i32
    %dma_wait3A_269 = arith.constant 0 : i32
    %dma_wait3A_270 = tpu.memref_slice %arg4[%dma_wait3A_258, %dma_wait3A_268, %dma_wait3A_269] : memref<2x248x256xf32, #tpu.memory_space<vmem>> -> memref<1x248x256xf32, #tpu.memory_space<vmem>>
    %dma_wait3A_271 = tpu.memref_squeeze %dma_wait3A_270 : memref<1x248x256xf32, #tpu.memory_space<vmem>> -> memref<248x256xf32, #tpu.memory_space<vmem>>
    %dma_wait3A_272 = arith.constant 0 : i32
    %dma_wait3A_273 = arith.constant 0 : i32
    %dma_wait3A_274 = tpu.memref_slice %dma_wait3A_271[%dma_wait3A_272, %dma_wait3A_273] : memref<248x256xf32, #tpu.memory_space<vmem>> -> memref<248x256xf32, #tpu.memory_space<vmem>>
    %dma_wait3A_275 = arith.constant 0 : i32
    %dma_wait3A_276 = tpu.memref_slice %arg2[%add3A_257, %dma_wait3A_275] : memref<262144x256xf32, #tpu.memory_space<hbm>> -> memref<248x256xf32, #tpu.memory_space<hbm>>
    tpu.wait_dma2 semaphore(%arg6 : memref<!tpu.dma_semaphore, #tpu.memory_space<semaphore_mem>>) src(%dma_wait3A_276 : memref<248x256xf32, #tpu.memory_space<hbm>>) dst(%dma_wait3A_274 : memref<248x256xf32, #tpu.memory_space<vmem>>)
    %add3A_277 = arith.constant 248 : i32
    %add3A_278 = arith.addi %mul3A_131, %add3A_277 : i32
    %dma_start3A_279 = arith.constant 1 : i32
    %dma_start3A_280 = arith.constant 0 : i32
    %dma_start3A_281 = arith.constant 0 : i32
    %dma_start3A_282 = tpu.memref_slice %arg4[%dma_start3A_279, %dma_start3A_280, %dma_start3A_281] : memref<2x248x256xf32, #tpu.memory_space<vmem>> -> memref<1x248x256xf32, #tpu.memory_space<vmem>>
    %dma_start3A_283 = tpu.memref_squeeze %dma_start3A_282 : memref<1x248x256xf32, #tpu.memory_space<vmem>> -> memref<248x256xf32, #tpu.memory_space<vmem>>
    %dma_start3A_284 = arith.constant 0 : i32
    %dma_start3A_285 = arith.constant 0 : i32
    %dma_start3A_286 = tpu.memref_slice %dma_start3A_283[%dma_start3A_284, %dma_start3A_285] : memref<248x256xf32, #tpu.memory_space<vmem>> -> memref<248x256xf32, #tpu.memory_space<vmem>>
    %dma_start3A_287 = arith.constant 0 : i32
    %dma_start3A_288 = tpu.memref_slice %arg3[%add3A_278, %dma_start3A_287] : memref<65536x256xf32, #tpu.memory_space<hbm>> -> memref<248x256xf32, #tpu.memory_space<hbm>>
    %dma_start3A_289 = arith.constant 0 : i32
    %dma_start3A_290 = tpu.memref_slice %arg3[%add3A_278, %dma_start3A_289] : memref<65536x256xf32, #tpu.memory_space<hbm>> -> memref<248x256xf32, #tpu.memory_space<hbm>>
    %dma_start3A_291 = arith.constant 0 : i32
    %dma_start3A_292 = arith.constant 0 : i32
    %dma_start3A_293 = tpu.memref_slice %arg4[%dma_start3A_279, %dma_start3A_291, %dma_start3A_292] : memref<2x248x256xf32, #tpu.memory_space<vmem>> -> memref<1x248x256xf32, #tpu.memory_space<vmem>>
    %dma_start3A_294 = tpu.memref_squeeze %dma_start3A_293 : memref<1x248x256xf32, #tpu.memory_space<vmem>> -> memref<248x256xf32, #tpu.memory_space<vmem>>
    %dma_start3A_295 = arith.constant 0 : i32
    %dma_start3A_296 = arith.constant 0 : i32
    %dma_start3A_297 = tpu.memref_slice %dma_start3A_294[%dma_start3A_295, %dma_start3A_296] : memref<248x256xf32, #tpu.memory_space<vmem>> -> memref<248x256xf32, #tpu.memory_space<vmem>>
    tpu.enqueue_dma source(%dma_start3A_297 : memref<248x256xf32, #tpu.memory_space<vmem>>) target(%dma_start3A_290 : memref<248x256xf32, #tpu.memory_space<hbm>>) target_semaphore(%arg9 : memref<!tpu.dma_semaphore, #tpu.memory_space<semaphore_mem>>)
    %add3A_298 = arith.constant 248 : i32
    %add3A_299 = arith.addi %mul3A_131, %add3A_298 : i32
    %dma_wait3A_300 = arith.constant 1 : i32
    %dma_wait3A_301 = arith.constant 0 : i32
    %dma_wait3A_302 = arith.constant 0 : i32
    %dma_wait3A_303 = tpu.memref_slice %arg4[%dma_wait3A_300, %dma_wait3A_301, %dma_wait3A_302] : memref<2x248x256xf32, #tpu.memory_space<vmem>> -> memref<1x248x256xf32, #tpu.memory_space<vmem>>
    %dma_wait3A_304 = tpu.memref_squeeze %dma_wait3A_303 : memref<1x248x256xf32, #tpu.memory_space<vmem>> -> memref<248x256xf32, #tpu.memory_space<vmem>>
    %dma_wait3A_305 = arith.constant 0 : i32
    %dma_wait3A_306 = arith.constant 0 : i32
    %dma_wait3A_307 = tpu.memref_slice %dma_wait3A_304[%dma_wait3A_305, %dma_wait3A_306] : memref<248x256xf32, #tpu.memory_space<vmem>> -> memref<248x256xf32, #tpu.memory_space<vmem>>
    %dma_wait3A_308 = arith.constant 0 : i32
    %dma_wait3A_309 = tpu.memref_slice %arg3[%add3A_299, %dma_wait3A_308] : memref<65536x256xf32, #tpu.memory_space<hbm>> -> memref<248x256xf32, #tpu.memory_space<hbm>>
    %dma_wait3A_310 = arith.constant 0 : i32
    %dma_wait3A_311 = tpu.memref_slice %arg3[%add3A_299, %dma_wait3A_310] : memref<65536x256xf32, #tpu.memory_space<hbm>> -> memref<248x256xf32, #tpu.memory_space<hbm>>
    %dma_wait3A_312 = arith.constant 0 : i32
    %dma_wait3A_313 = arith.constant 0 : i32
    %dma_wait3A_314 = tpu.memref_slice %arg4[%dma_wait3A_300, %dma_wait3A_312, %dma_wait3A_313] : memref<2x248x256xf32, #tpu.memory_space<vmem>> -> memref<1x248x256xf32, #tpu.memory_space<vmem>>
    %dma_wait3A_315 = tpu.memref_squeeze %dma_wait3A_314 : memref<1x248x256xf32, #tpu.memory_space<vmem>> -> memref<248x256xf32, #tpu.memory_space<vmem>>
    %dma_wait3A_316 = arith.constant 0 : i32
    %dma_wait3A_317 = arith.constant 0 : i32
    %dma_wait3A_318 = tpu.memref_slice %dma_wait3A_315[%dma_wait3A_316, %dma_wait3A_317] : memref<248x256xf32, #tpu.memory_space<vmem>> -> memref<248x256xf32, #tpu.memory_space<vmem>>
    tpu.wait_dma2 semaphore(%arg9 : memref<!tpu.dma_semaphore, #tpu.memory_space<semaphore_mem>>) src(%dma_wait3A_318 : memref<248x256xf32, #tpu.memory_space<vmem>>) dst(%dma_wait3A_311 : memref<248x256xf32, #tpu.memory_space<hbm>>)
    %add3A_319 = arith.constant 744 : i32
    %add3A_320 = arith.addi %mul3A_129, %add3A_319 : i32
    %dma_start3A_321 = arith.constant 1 : i32
    %dma_start3A_322 = arith.constant 0 : i32
    %dma_start3A_323 = arith.constant 0 : i32
    %dma_start3A_324 = tpu.memref_slice %arg4[%dma_start3A_321, %dma_start3A_322, %dma_start3A_323] : memref<2x248x256xf32, #tpu.memory_space<vmem>> -> memref<1x248x256xf32, #tpu.memory_space<vmem>>
    %dma_start3A_325 = tpu.memref_squeeze %dma_start3A_324 : memref<1x248x256xf32, #tpu.memory_space<vmem>> -> memref<248x256xf32, #tpu.memory_space<vmem>>
    %dma_start3A_326 = arith.constant 0 : i32
    %dma_start3A_327 = arith.constant 0 : i32
    %dma_start3A_328 = tpu.memref_slice %dma_start3A_325[%dma_start3A_326, %dma_start3A_327] : memref<248x256xf32, #tpu.memory_space<vmem>> -> memref<248x256xf32, #tpu.memory_space<vmem>>
    %dma_start3A_329 = arith.constant 0 : i32
    %dma_start3A_330 = tpu.memref_slice %arg2[%add3A_320, %dma_start3A_329] : memref<262144x256xf32, #tpu.memory_space<hbm>> -> memref<248x256xf32, #tpu.memory_space<hbm>>
    %dma_start3A_331 = arith.constant 0 : i32
    %dma_start3A_332 = arith.constant 0 : i32
    %dma_start3A_333 = tpu.memref_slice %arg4[%dma_start3A_321, %dma_start3A_331, %dma_start3A_332] : memref<2x248x256xf32, #tpu.memory_space<vmem>> -> memref<1x248x256xf32, #tpu.memory_space<vmem>>
    %dma_start3A_334 = tpu.memref_squeeze %dma_start3A_333 : memref<1x248x256xf32, #tpu.memory_space<vmem>> -> memref<248x256xf32, #tpu.memory_space<vmem>>
    %dma_start3A_335 = arith.constant 0 : i32
    %dma_start3A_336 = arith.constant 0 : i32
    %dma_start3A_337 = tpu.memref_slice %dma_start3A_334[%dma_start3A_335, %dma_start3A_336] : memref<248x256xf32, #tpu.memory_space<vmem>> -> memref<248x256xf32, #tpu.memory_space<vmem>>
    %dma_start3A_338 = arith.constant 0 : i32
    %dma_start3A_339 = tpu.memref_slice %arg2[%add3A_320, %dma_start3A_338] : memref<262144x256xf32, #tpu.memory_space<hbm>> -> memref<248x256xf32, #tpu.memory_space<hbm>>
    tpu.enqueue_dma source(%dma_start3A_339 : memref<248x256xf32, #tpu.memory_space<hbm>>) target(%dma_start3A_337 : memref<248x256xf32, #tpu.memory_space<vmem>>) target_semaphore(%arg6 : memref<!tpu.dma_semaphore, #tpu.memory_space<semaphore_mem>>)
    %add3A_340 = arith.constant 496 : i32
    %add3A_341 = arith.addi %mul3A_129, %add3A_340 : i32
    %dma_wait3A_342 = arith.constant 0 : i32
    %dma_wait3A_343 = arith.constant 0 : i32
    %dma_wait3A_344 = arith.constant 0 : i32
    %dma_wait3A_345 = tpu.memref_slice %arg4[%dma_wait3A_342, %dma_wait3A_343, %dma_wait3A_344] : memref<2x248x256xf32, #tpu.memory_space<vmem>> -> memref<1x248x256xf32, #tpu.memory_space<vmem>>
    %dma_wait3A_346 = tpu.memref_squeeze %dma_wait3A_345 : memref<1x248x256xf32, #tpu.memory_space<vmem>> -> memref<248x256xf32, #tpu.memory_space<vmem>>
    %dma_wait3A_347 = arith.constant 0 : i32
    %dma_wait3A_348 = arith.constant 0 : i32
    %dma_wait3A_349 = tpu.memref_slice %dma_wait3A_346[%dma_wait3A_347, %dma_wait3A_348] : memref<248x256xf32, #tpu.memory_space<vmem>> -> memref<248x256xf32, #tpu.memory_space<vmem>>
    %dma_wait3A_350 = arith.constant 0 : i32
    %dma_wait3A_351 = tpu.memref_slice %arg2[%add3A_341, %dma_wait3A_350] : memref<262144x256xf32, #tpu.memory_space<hbm>> -> memref<248x256xf32, #tpu.memory_space<hbm>>
    %dma_wait3A_352 = arith.constant 0 : i32
    %dma_wait3A_353 = arith.constant 0 : i32
    %dma_wait3A_354 = tpu.memref_slice %arg4[%dma_wait3A_342, %dma_wait3A_352, %dma_wait3A_353] : memref<2x248x256xf32, #tpu.memory_space<vmem>> -> memref<1x248x256xf32, #tpu.memory_space<vmem>>
    %dma_wait3A_355 = tpu.memref_squeeze %dma_wait3A_354 : memref<1x248x256xf32, #tpu.memory_space<vmem>> -> memref<248x256xf32, #tpu.memory_space<vmem>>
    %dma_wait3A_356 = arith.constant 0 : i32
    %dma_wait3A_357 = arith.constant 0 : i32
    %dma_wait3A_358 = tpu.memref_slice %dma_wait3A_355[%dma_wait3A_356, %dma_wait3A_357] : memref<248x256xf32, #tpu.memory_space<vmem>> -> memref<248x256xf32, #tpu.memory_space<vmem>>
    %dma_wait3A_359 = arith.constant 0 : i32
    %dma_wait3A_360 = tpu.memref_slice %arg2[%add3A_341, %dma_wait3A_359] : memref<262144x256xf32, #tpu.memory_space<hbm>> -> memref<248x256xf32, #tpu.memory_space<hbm>>
    tpu.wait_dma2 semaphore(%arg5 : memref<!tpu.dma_semaphore, #tpu.memory_space<semaphore_mem>>) src(%dma_wait3A_360 : memref<248x256xf32, #tpu.memory_space<hbm>>) dst(%dma_wait3A_358 : memref<248x256xf32, #tpu.memory_space<vmem>>)
    %add3A_361 = arith.constant 496 : i32
    %add3A_362 = arith.addi %mul3A_131, %add3A_361 : i32
    %dma_start3A_363 = arith.constant 0 : i32
    %dma_start3A_364 = arith.constant 0 : i32
    %dma_start3A_365 = arith.constant 0 : i32
    %dma_start3A_366 = tpu.memref_slice %arg4[%dma_start3A_363, %dma_start3A_364, %dma_start3A_365] : memref<2x248x256xf32, #tpu.memory_space<vmem>> -> memref<1x248x256xf32, #tpu.memory_space<vmem>>
    %dma_start3A_367 = tpu.memref_squeeze %dma_start3A_366 : memref<1x248x256xf32, #tpu.memory_space<vmem>> -> memref<248x256xf32, #tpu.memory_space<vmem>>
    %dma_start3A_368 = arith.constant 0 : i32
    %dma_start3A_369 = arith.constant 0 : i32
    %dma_start3A_370 = tpu.memref_slice %dma_start3A_367[%dma_start3A_368, %dma_start3A_369] : memref<248x256xf32, #tpu.memory_space<vmem>> -> memref<248x256xf32, #tpu.memory_space<vmem>>
    %dma_start3A_371 = arith.constant 0 : i32
    %dma_start3A_372 = tpu.memref_slice %arg3[%add3A_362, %dma_start3A_371] : memref<65536x256xf32, #tpu.memory_space<hbm>> -> memref<248x256xf32, #tpu.memory_space<hbm>>
    %dma_start3A_373 = arith.constant 0 : i32
    %dma_start3A_374 = tpu.memref_slice %arg3[%add3A_362, %dma_start3A_373] : memref<65536x256xf32, #tpu.memory_space<hbm>> -> memref<248x256xf32, #tpu.memory_space<hbm>>
    %dma_start3A_375 = arith.constant 0 : i32
    %dma_start3A_376 = arith.constant 0 : i32
    %dma_start3A_377 = tpu.memref_slice %arg4[%dma_start3A_363, %dma_start3A_375, %dma_start3A_376] : memref<2x248x256xf32, #tpu.memory_space<vmem>> -> memref<1x248x256xf32, #tpu.memory_space<vmem>>
    %dma_start3A_378 = tpu.memref_squeeze %dma_start3A_377 : memref<1x248x256xf32, #tpu.memory_space<vmem>> -> memref<248x256xf32, #tpu.memory_space<vmem>>
    %dma_start3A_379 = arith.constant 0 : i32
    %dma_start3A_380 = arith.constant 0 : i32
    %dma_start3A_381 = tpu.memref_slice %dma_start3A_378[%dma_start3A_379, %dma_start3A_380] : memref<248x256xf32, #tpu.memory_space<vmem>> -> memref<248x256xf32, #tpu.memory_space<vmem>>
    tpu.enqueue_dma source(%dma_start3A_381 : memref<248x256xf32, #tpu.memory_space<vmem>>) target(%dma_start3A_374 : memref<248x256xf32, #tpu.memory_space<hbm>>) target_semaphore(%arg8 : memref<!tpu.dma_semaphore, #tpu.memory_space<semaphore_mem>>)
    %add3A_382 = arith.constant 496 : i32
    %add3A_383 = arith.addi %mul3A_131, %add3A_382 : i32
    %dma_wait3A_384 = arith.constant 0 : i32
    %dma_wait3A_385 = arith.constant 0 : i32
    %dma_wait3A_386 = arith.constant 0 : i32
    %dma_wait3A_387 = tpu.memref_slice %arg4[%dma_wait3A_384, %dma_wait3A_385, %dma_wait3A_386] : memref<2x248x256xf32, #tpu.memory_space<vmem>> -> memref<1x248x256xf32, #tpu.memory_space<vmem>>
    %dma_wait3A_388 = tpu.memref_squeeze %dma_wait3A_387 : memref<1x248x256xf32, #tpu.memory_space<vmem>> -> memref<248x256xf32, #tpu.memory_space<vmem>>
    %dma_wait3A_389 = arith.constant 0 : i32
    %dma_wait3A_390 = arith.constant 0 : i32
    %dma_wait3A_391 = tpu.memref_slice %dma_wait3A_388[%dma_wait3A_389, %dma_wait3A_390] : memref<248x256xf32, #tpu.memory_space<vmem>> -> memref<248x256xf32, #tpu.memory_space<vmem>>
    %dma_wait3A_392 = arith.constant 0 : i32
    %dma_wait3A_393 = tpu.memref_slice %arg3[%add3A_383, %dma_wait3A_392] : memref<65536x256xf32, #tpu.memory_space<hbm>> -> memref<248x256xf32, #tpu.memory_space<hbm>>
    %dma_wait3A_394 = arith.constant 0 : i32
    %dma_wait3A_395 = tpu.memref_slice %arg3[%add3A_383, %dma_wait3A_394] : memref<65536x256xf32, #tpu.memory_space<hbm>> -> memref<248x256xf32, #tpu.memory_space<hbm>>
    %dma_wait3A_396 = arith.constant 0 : i32
    %dma_wait3A_397 = arith.constant 0 : i32
    %dma_wait3A_398 = tpu.memref_slice %arg4[%dma_wait3A_384, %dma_wait3A_396, %dma_wait3A_397] : memref<2x248x256xf32, #tpu.memory_space<vmem>> -> memref<1x248x256xf32, #tpu.memory_space<vmem>>
    %dma_wait3A_399 = tpu.memref_squeeze %dma_wait3A_398 : memref<1x248x256xf32, #tpu.memory_space<vmem>> -> memref<248x256xf32, #tpu.memory_space<vmem>>
    %dma_wait3A_400 = arith.constant 0 : i32
    %dma_wait3A_401 = arith.constant 0 : i32
    %dma_wait3A_402 = tpu.memref_slice %dma_wait3A_399[%dma_wait3A_400, %dma_wait3A_401] : memref<248x256xf32, #tpu.memory_space<vmem>> -> memref<248x256xf32, #tpu.memory_space<vmem>>
    tpu.wait_dma2 semaphore(%arg8 : memref<!tpu.dma_semaphore, #tpu.memory_space<semaphore_mem>>) src(%dma_wait3A_402 : memref<248x256xf32, #tpu.memory_space<vmem>>) dst(%dma_wait3A_395 : memref<248x256xf32, #tpu.memory_space<hbm>>)
    %add3A_403 = arith.constant 992 : i32
    %add3A_404 = arith.addi %mul3A_129, %add3A_403 : i32
    %dma_start3A_405 = arith.constant 0 : i32
    %dma_start3A_406 = arith.constant 0 : i32
    %dma_start3A_407 = arith.constant 0 : i32
    %dma_start3A_408 = tpu.memref_slice %arg4[%dma_start3A_405, %dma_start3A_406, %dma_start3A_407] : memref<2x248x256xf32, #tpu.memory_space<vmem>> -> memref<1x248x256xf32, #tpu.memory_space<vmem>>
    %dma_start3A_409 = tpu.memref_squeeze %dma_start3A_408 : memref<1x248x256xf32, #tpu.memory_space<vmem>> -> memref<248x256xf32, #tpu.memory_space<vmem>>
    %dma_start3A_410 = arith.constant 0 : i32
    %dma_start3A_411 = arith.constant 0 : i32
    %dma_start3A_412 = tpu.memref_slice %dma_start3A_409[%dma_start3A_410, %dma_start3A_411] : memref<248x256xf32, #tpu.memory_space<vmem>> -> memref<248x256xf32, #tpu.memory_space<vmem>>
    %dma_start3A_413 = arith.constant 0 : i32
    %dma_start3A_414 = tpu.memref_slice %arg2[%add3A_404, %dma_start3A_413] : memref<262144x256xf32, #tpu.memory_space<hbm>> -> memref<248x256xf32, #tpu.memory_space<hbm>>
    %dma_start3A_415 = arith.constant 0 : i32
    %dma_start3A_416 = arith.constant 0 : i32
    %dma_start3A_417 = tpu.memref_slice %arg4[%dma_start3A_405, %dma_start3A_415, %dma_start3A_416] : memref<2x248x256xf32, #tpu.memory_space<vmem>> -> memref<1x248x256xf32, #tpu.memory_space<vmem>>
    %dma_start3A_418 = tpu.memref_squeeze %dma_start3A_417 : memref<1x248x256xf32, #tpu.memory_space<vmem>> -> memref<248x256xf32, #tpu.memory_space<vmem>>
    %dma_start3A_419 = arith.constant 0 : i32
    %dma_start3A_420 = arith.constant 0 : i32
    %dma_start3A_421 = tpu.memref_slice %dma_start3A_418[%dma_start3A_419, %dma_start3A_420] : memref<248x256xf32, #tpu.memory_space<vmem>> -> memref<248x256xf32, #tpu.memory_space<vmem>>
    %dma_start3A_422 = arith.constant 0 : i32
    %dma_start3A_423 = tpu.memref_slice %arg2[%add3A_404, %dma_start3A_422] : memref<262144x256xf32, #tpu.memory_space<hbm>> -> memref<248x256xf32, #tpu.memory_space<hbm>>
    tpu.enqueue_dma source(%dma_start3A_423 : memref<248x256xf32, #tpu.memory_space<hbm>>) target(%dma_start3A_421 : memref<248x256xf32, #tpu.memory_space<vmem>>) target_semaphore(%arg5 : memref<!tpu.dma_semaphore, #tpu.memory_space<semaphore_mem>>)
    %add3A_424 = arith.constant 744 : i32
    %add3A_425 = arith.addi %mul3A_129, %add3A_424 : i32
    %dma_wait3A_426 = arith.constant 1 : i32
    %dma_wait3A_427 = arith.constant 0 : i32
    %dma_wait3A_428 = arith.constant 0 : i32
    %dma_wait3A_429 = tpu.memref_slice %arg4[%dma_wait3A_426, %dma_wait3A_427, %dma_wait3A_428] : memref<2x248x256xf32, #tpu.memory_space<vmem>> -> memref<1x248x256xf32, #tpu.memory_space<vmem>>
    %dma_wait3A_430 = tpu.memref_squeeze %dma_wait3A_429 : memref<1x248x256xf32, #tpu.memory_space<vmem>> -> memref<248x256xf32, #tpu.memory_space<vmem>>
    %dma_wait3A_431 = arith.constant 0 : i32
    %dma_wait3A_432 = arith.constant 0 : i32
    %dma_wait3A_433 = tpu.memref_slice %dma_wait3A_430[%dma_wait3A_431, %dma_wait3A_432] : memref<248x256xf32, #tpu.memory_space<vmem>> -> memref<248x256xf32, #tpu.memory_space<vmem>>
    %dma_wait3A_434 = arith.constant 0 : i32
    %dma_wait3A_435 = tpu.memref_slice %arg2[%add3A_425, %dma_wait3A_434] : memref<262144x256xf32, #tpu.memory_space<hbm>> -> memref<248x256xf32, #tpu.memory_space<hbm>>
    %dma_wait3A_436 = arith.constant 0 : i32
    %dma_wait3A_437 = arith.constant 0 : i32
    %dma_wait3A_438 = tpu.memref_slice %arg4[%dma_wait3A_426, %dma_wait3A_436, %dma_wait3A_437] : memref<2x248x256xf32, #tpu.memory_space<vmem>> -> memref<1x248x256xf32, #tpu.memory_space<vmem>>
    %dma_wait3A_439 = tpu.memref_squeeze %dma_wait3A_438 : memref<1x248x256xf32, #tpu.memory_space<vmem>> -> memref<248x256xf32, #tpu.memory_space<vmem>>
    %dma_wait3A_440 = arith.constant 0 : i32
    %dma_wait3A_441 = arith.constant 0 : i32
    %dma_wait3A_442 = tpu.memref_slice %dma_wait3A_439[%dma_wait3A_440, %dma_wait3A_441] : memref<248x256xf32, #tpu.memory_space<vmem>> -> memref<248x256xf32, #tpu.memory_space<vmem>>
    %dma_wait3A_443 = arith.constant 0 : i32
    %dma_wait3A_444 = tpu.memref_slice %arg2[%add3A_425, %dma_wait3A_443] : memref<262144x256xf32, #tpu.memory_space<hbm>> -> memref<248x256xf32, #tpu.memory_space<hbm>>
    tpu.wait_dma2 semaphore(%arg6 : memref<!tpu.dma_semaphore, #tpu.memory_space<semaphore_mem>>) src(%dma_wait3A_444 : memref<248x256xf32, #tpu.memory_space<hbm>>) dst(%dma_wait3A_442 : memref<248x256xf32, #tpu.memory_space<vmem>>)
    %add3A_445 = arith.constant 744 : i32
    %add3A_446 = arith.addi %mul3A_131, %add3A_445 : i32
    %dma_start3A_447 = arith.constant 1 : i32
    %dma_start3A_448 = arith.constant 0 : i32
    %dma_start3A_449 = arith.constant 0 : i32
    %dma_start3A_450 = tpu.memref_slice %arg4[%dma_start3A_447, %dma_start3A_448, %dma_start3A_449] : memref<2x248x256xf32, #tpu.memory_space<vmem>> -> memref<1x248x256xf32, #tpu.memory_space<vmem>>
    %dma_start3A_451 = tpu.memref_squeeze %dma_start3A_450 : memref<1x248x256xf32, #tpu.memory_space<vmem>> -> memref<248x256xf32, #tpu.memory_space<vmem>>
    %dma_start3A_452 = arith.constant 0 : i32
    %dma_start3A_453 = arith.constant 0 : i32
    %dma_start3A_454 = tpu.memref_slice %dma_start3A_451[%dma_start3A_452, %dma_start3A_453] : memref<248x256xf32, #tpu.memory_space<vmem>> -> memref<248x256xf32, #tpu.memory_space<vmem>>
    %dma_start3A_455 = arith.constant 0 : i32
    %dma_start3A_456 = tpu.memref_slice %arg3[%add3A_446, %dma_start3A_455] : memref<65536x256xf32, #tpu.memory_space<hbm>> -> memref<248x256xf32, #tpu.memory_space<hbm>>
    %dma_start3A_457 = arith.constant 0 : i32
    %dma_start3A_458 = tpu.memref_slice %arg3[%add3A_446, %dma_start3A_457] : memref<65536x256xf32, #tpu.memory_space<hbm>> -> memref<248x256xf32, #tpu.memory_space<hbm>>
    %dma_start3A_459 = arith.constant 0 : i32
    %dma_start3A_460 = arith.constant 0 : i32
    %dma_start3A_461 = tpu.memref_slice %arg4[%dma_start3A_447, %dma_start3A_459, %dma_start3A_460] : memref<2x248x256xf32, #tpu.memory_space<vmem>> -> memref<1x248x256xf32, #tpu.memory_space<vmem>>
    %dma_start3A_462 = tpu.memref_squeeze %dma_start3A_461 : memref<1x248x256xf32, #tpu.memory_space<vmem>> -> memref<248x256xf32, #tpu.memory_space<vmem>>
    %dma_start3A_463 = arith.constant 0 : i32
    %dma_start3A_464 = arith.constant 0 : i32
    %dma_start3A_465 = tpu.memref_slice %dma_start3A_462[%dma_start3A_463, %dma_start3A_464] : memref<248x256xf32, #tpu.memory_space<vmem>> -> memref<248x256xf32, #tpu.memory_space<vmem>>
    tpu.enqueue_dma source(%dma_start3A_465 : memref<248x256xf32, #tpu.memory_space<vmem>>) target(%dma_start3A_458 : memref<248x256xf32, #tpu.memory_space<hbm>>) target_semaphore(%arg9 : memref<!tpu.dma_semaphore, #tpu.memory_space<semaphore_mem>>)
    %add3A_466 = arith.constant 744 : i32
    %add3A_467 = arith.addi %mul3A_131, %add3A_466 : i32
    %dma_wait3A_468 = arith.constant 1 : i32
    %dma_wait3A_469 = arith.constant 0 : i32
    %dma_wait3A_470 = arith.constant 0 : i32
    %dma_wait3A_471 = tpu.memref_slice %arg4[%dma_wait3A_468, %dma_wait3A_469, %dma_wait3A_470] : memref<2x248x256xf32, #tpu.memory_space<vmem>> -> memref<1x248x256xf32, #tpu.memory_space<vmem>>
    %dma_wait3A_472 = tpu.memref_squeeze %dma_wait3A_471 : memref<1x248x256xf32, #tpu.memory_space<vmem>> -> memref<248x256xf32, #tpu.memory_space<vmem>>
    %dma_wait3A_473 = arith.constant 0 : i32
    %dma_wait3A_474 = arith.constant 0 : i32
    %dma_wait3A_475 = tpu.memref_slice %dma_wait3A_472[%dma_wait3A_473, %dma_wait3A_474] : memref<248x256xf32, #tpu.memory_space<vmem>> -> memref<248x256xf32, #tpu.memory_space<vmem>>
    %dma_wait3A_476 = arith.constant 0 : i32
    %dma_wait3A_477 = tpu.memref_slice %arg3[%add3A_467, %dma_wait3A_476] : memref<65536x256xf32, #tpu.memory_space<hbm>> -> memref<248x256xf32, #tpu.memory_space<hbm>>
    %dma_wait3A_478 = arith.constant 0 : i32
    %dma_wait3A_479 = tpu.memref_slice %arg3[%add3A_467, %dma_wait3A_478] : memref<65536x256xf32, #tpu.memory_space<hbm>> -> memref<248x256xf32, #tpu.memory_space<hbm>>
    %dma_wait3A_480 = arith.constant 0 : i32
    %dma_wait3A_481 = arith.constant 0 : i32
    %dma_wait3A_482 = tpu.memref_slice %arg4[%dma_wait3A_468, %dma_wait3A_480, %dma_wait3A_481] : memref<2x248x256xf32, #tpu.memory_space<vmem>> -> memref<1x248x256xf32, #tpu.memory_space<vmem>>
    %dma_wait3A_483 = tpu.memref_squeeze %dma_wait3A_482 : memref<1x248x256xf32, #tpu.memory_space<vmem>> -> memref<248x256xf32, #tpu.memory_space<vmem>>
    %dma_wait3A_484 = arith.constant 0 : i32
    %dma_wait3A_485 = arith.constant 0 : i32
    %dma_wait3A_486 = tpu.memref_slice %dma_wait3A_483[%dma_wait3A_484, %dma_wait3A_485] : memref<248x256xf32, #tpu.memory_space<vmem>> -> memref<248x256xf32, #tpu.memory_space<vmem>>
    tpu.wait_dma2 semaphore(%arg9 : memref<!tpu.dma_semaphore, #tpu.memory_space<semaphore_mem>>) src(%dma_wait3A_486 : memref<248x256xf32, #tpu.memory_space<vmem>>) dst(%dma_wait3A_479 : memref<248x256xf32, #tpu.memory_space<hbm>>)
    %add3A_487 = arith.constant 1240 : i32
    %add3A_488 = arith.addi %mul3A_129, %add3A_487 : i32
    %dma_start3A_489 = arith.constant 1 : i32
    %dma_start3A_490 = arith.constant 0 : i32
    %dma_start3A_491 = arith.constant 0 : i32
    %dma_start3A_492 = tpu.memref_slice %arg4[%dma_start3A_489, %dma_start3A_490, %dma_start3A_491] : memref<2x248x256xf32, #tpu.memory_space<vmem>> -> memref<1x248x256xf32, #tpu.memory_space<vmem>>
    %dma_start3A_493 = tpu.memref_squeeze %dma_start3A_492 : memref<1x248x256xf32, #tpu.memory_space<vmem>> -> memref<248x256xf32, #tpu.memory_space<vmem>>
    %dma_start3A_494 = arith.constant 0 : i32
    %dma_start3A_495 = arith.constant 0 : i32
    %dma_start3A_496 = tpu.memref_slice %dma_start3A_493[%dma_start3A_494, %dma_start3A_495] : memref<248x256xf32, #tpu.memory_space<vmem>> -> memref<248x256xf32, #tpu.memory_space<vmem>>
    %dma_start3A_497 = arith.constant 0 : i32
    %dma_start3A_498 = tpu.memref_slice %arg2[%add3A_488, %dma_start3A_497] : memref<262144x256xf32, #tpu.memory_space<hbm>> -> memref<248x256xf32, #tpu.memory_space<hbm>>
    %dma_start3A_499 = arith.constant 0 : i32
    %dma_start3A_500 = arith.constant 0 : i32
    %dma_start3A_501 = tpu.memref_slice %arg4[%dma_start3A_489, %dma_start3A_499, %dma_start3A_500] : memref<2x248x256xf32, #tpu.memory_space<vmem>> -> memref<1x248x256xf32, #tpu.memory_space<vmem>>
    %dma_start3A_502 = tpu.memref_squeeze %dma_start3A_501 : memref<1x248x256xf32, #tpu.memory_space<vmem>> -> memref<248x256xf32, #tpu.memory_space<vmem>>
    %dma_start3A_503 = arith.constant 0 : i32
    %dma_start3A_504 = arith.constant 0 : i32
    %dma_start3A_505 = tpu.memref_slice %dma_start3A_502[%dma_start3A_503, %dma_start3A_504] : memref<248x256xf32, #tpu.memory_space<vmem>> -> memref<248x256xf32, #tpu.memory_space<vmem>>
    %dma_start3A_506 = arith.constant 0 : i32
    %dma_start3A_507 = tpu.memref_slice %arg2[%add3A_488, %dma_start3A_506] : memref<262144x256xf32, #tpu.memory_space<hbm>> -> memref<248x256xf32, #tpu.memory_space<hbm>>
    tpu.enqueue_dma source(%dma_start3A_507 : memref<248x256xf32, #tpu.memory_space<hbm>>) target(%dma_start3A_505 : memref<248x256xf32, #tpu.memory_space<vmem>>) target_semaphore(%arg6 : memref<!tpu.dma_semaphore, #tpu.memory_space<semaphore_mem>>)
    %add3A_508 = arith.constant 992 : i32
    %add3A_509 = arith.addi %mul3A_129, %add3A_508 : i32
    %dma_wait3A_510 = arith.constant 0 : i32
    %dma_wait3A_511 = arith.constant 0 : i32
    %dma_wait3A_512 = arith.constant 0 : i32
    %dma_wait3A_513 = tpu.memref_slice %arg4[%dma_wait3A_510, %dma_wait3A_511, %dma_wait3A_512] : memref<2x248x256xf32, #tpu.memory_space<vmem>> -> memref<1x248x256xf32, #tpu.memory_space<vmem>>
    %dma_wait3A_514 = tpu.memref_squeeze %dma_wait3A_513 : memref<1x248x256xf32, #tpu.memory_space<vmem>> -> memref<248x256xf32, #tpu.memory_space<vmem>>
    %dma_wait3A_515 = arith.constant 0 : i32
    %dma_wait3A_516 = arith.constant 0 : i32
    %dma_wait3A_517 = tpu.memref_slice %dma_wait3A_514[%dma_wait3A_515, %dma_wait3A_516] : memref<248x256xf32, #tpu.memory_space<vmem>> -> memref<248x256xf32, #tpu.memory_space<vmem>>
    %dma_wait3A_518 = arith.constant 0 : i32
    %dma_wait3A_519 = tpu.memref_slice %arg2[%add3A_509, %dma_wait3A_518] : memref<262144x256xf32, #tpu.memory_space<hbm>> -> memref<248x256xf32, #tpu.memory_space<hbm>>
    %dma_wait3A_520 = arith.constant 0 : i32
    %dma_wait3A_521 = arith.constant 0 : i32
    %dma_wait3A_522 = tpu.memref_slice %arg4[%dma_wait3A_510, %dma_wait3A_520, %dma_wait3A_521] : memref<2x248x256xf32, #tpu.memory_space<vmem>> -> memref<1x248x256xf32, #tpu.memory_space<vmem>>
    %dma_wait3A_523 = tpu.memref_squeeze %dma_wait3A_522 : memref<1x248x256xf32, #tpu.memory_space<vmem>> -> memref<248x256xf32, #tpu.memory_space<vmem>>
    %dma_wait3A_524 = arith.constant 0 : i32
    %dma_wait3A_525 = arith.constant 0 : i32
    %dma_wait3A_526 = tpu.memref_slice %dma_wait3A_523[%dma_wait3A_524, %dma_wait3A_525] : memref<248x256xf32, #tpu.memory_space<vmem>> -> memref<248x256xf32, #tpu.memory_space<vmem>>
    %dma_wait3A_527 = arith.constant 0 : i32
    %dma_wait3A_528 = tpu.memref_slice %arg2[%add3A_509, %dma_wait3A_527] : memref<262144x256xf32, #tpu.memory_space<hbm>> -> memref<248x256xf32, #tpu.memory_space<hbm>>
    tpu.wait_dma2 semaphore(%arg5 : memref<!tpu.dma_semaphore, #tpu.memory_space<semaphore_mem>>) src(%dma_wait3A_528 : memref<248x256xf32, #tpu.memory_space<hbm>>) dst(%dma_wait3A_526 : memref<248x256xf32, #tpu.memory_space<vmem>>)
    %add3A_529 = arith.constant 992 : i32
    %add3A_530 = arith.addi %mul3A_131, %add3A_529 : i32
    %dma_start3A_531 = arith.constant 0 : i32
    %dma_start3A_532 = arith.constant 0 : i32
    %dma_start3A_533 = arith.constant 0 : i32
    %dma_start3A_534 = tpu.memref_slice %arg4[%dma_start3A_531, %dma_start3A_532, %dma_start3A_533] : memref<2x248x256xf32, #tpu.memory_space<vmem>> -> memref<1x248x256xf32, #tpu.memory_space<vmem>>
    %dma_start3A_535 = tpu.memref_squeeze %dma_start3A_534 : memref<1x248x256xf32, #tpu.memory_space<vmem>> -> memref<248x256xf32, #tpu.memory_space<vmem>>
    %dma_start3A_536 = arith.constant 0 : i32
    %dma_start3A_537 = arith.constant 0 : i32
    %dma_start3A_538 = tpu.memref_slice %dma_start3A_535[%dma_start3A_536, %dma_start3A_537] : memref<248x256xf32, #tpu.memory_space<vmem>> -> memref<248x256xf32, #tpu.memory_space<vmem>>
    %dma_start3A_539 = arith.constant 0 : i32
    %dma_start3A_540 = tpu.memref_slice %arg3[%add3A_530, %dma_start3A_539] : memref<65536x256xf32, #tpu.memory_space<hbm>> -> memref<248x256xf32, #tpu.memory_space<hbm>>
    %dma_start3A_541 = arith.constant 0 : i32
    %dma_start3A_542 = tpu.memref_slice %arg3[%add3A_530, %dma_start3A_541] : memref<65536x256xf32, #tpu.memory_space<hbm>> -> memref<248x256xf32, #tpu.memory_space<hbm>>
    %dma_start3A_543 = arith.constant 0 : i32
    %dma_start3A_544 = arith.constant 0 : i32
    %dma_start3A_545 = tpu.memref_slice %arg4[%dma_start3A_531, %dma_start3A_543, %dma_start3A_544] : memref<2x248x256xf32, #tpu.memory_space<vmem>> -> memref<1x248x256xf32, #tpu.memory_space<vmem>>
    %dma_start3A_546 = tpu.memref_squeeze %dma_start3A_545 : memref<1x248x256xf32, #tpu.memory_space<vmem>> -> memref<248x256xf32, #tpu.memory_space<vmem>>
    %dma_start3A_547 = arith.constant 0 : i32
    %dma_start3A_548 = arith.constant 0 : i32
    %dma_start3A_549 = tpu.memref_slice %dma_start3A_546[%dma_start3A_547, %dma_start3A_548] : memref<248x256xf32, #tpu.memory_space<vmem>> -> memref<248x256xf32, #tpu.memory_space<vmem>>
    tpu.enqueue_dma source(%dma_start3A_549 : memref<248x256xf32, #tpu.memory_space<vmem>>) target(%dma_start3A_542 : memref<248x256xf32, #tpu.memory_space<hbm>>) target_semaphore(%arg8 : memref<!tpu.dma_semaphore, #tpu.memory_space<semaphore_mem>>)
    %add3A_550 = arith.constant 992 : i32
    %add3A_551 = arith.addi %mul3A_131, %add3A_550 : i32
    %dma_wait3A_552 = arith.constant 0 : i32
    %dma_wait3A_553 = arith.constant 0 : i32
    %dma_wait3A_554 = arith.constant 0 : i32
    %dma_wait3A_555 = tpu.memref_slice %arg4[%dma_wait3A_552, %dma_wait3A_553, %dma_wait3A_554] : memref<2x248x256xf32, #tpu.memory_space<vmem>> -> memref<1x248x256xf32, #tpu.memory_space<vmem>>
    %dma_wait3A_556 = tpu.memref_squeeze %dma_wait3A_555 : memref<1x248x256xf32, #tpu.memory_space<vmem>> -> memref<248x256xf32, #tpu.memory_space<vmem>>
    %dma_wait3A_557 = arith.constant 0 : i32
    %dma_wait3A_558 = arith.constant 0 : i32
    %dma_wait3A_559 = tpu.memref_slice %dma_wait3A_556[%dma_wait3A_557, %dma_wait3A_558] : memref<248x256xf32, #tpu.memory_space<vmem>> -> memref<248x256xf32, #tpu.memory_space<vmem>>
    %dma_wait3A_560 = arith.constant 0 : i32
    %dma_wait3A_561 = tpu.memref_slice %arg3[%add3A_551, %dma_wait3A_560] : memref<65536x256xf32, #tpu.memory_space<hbm>> -> memref<248x256xf32, #tpu.memory_space<hbm>>
    %dma_wait3A_562 = arith.constant 0 : i32
    %dma_wait3A_563 = tpu.memref_slice %arg3[%add3A_551, %dma_wait3A_562] : memref<65536x256xf32, #tpu.memory_space<hbm>> -> memref<248x256xf32, #tpu.memory_space<hbm>>
    %dma_wait3A_564 = arith.constant 0 : i32
    %dma_wait3A_565 = arith.constant 0 : i32
    %dma_wait3A_566 = tpu.memref_slice %arg4[%dma_wait3A_552, %dma_wait3A_564, %dma_wait3A_565] : memref<2x248x256xf32, #tpu.memory_space<vmem>> -> memref<1x248x256xf32, #tpu.memory_space<vmem>>
    %dma_wait3A_567 = tpu.memref_squeeze %dma_wait3A_566 : memref<1x248x256xf32, #tpu.memory_space<vmem>> -> memref<248x256xf32, #tpu.memory_space<vmem>>
    %dma_wait3A_568 = arith.constant 0 : i32
    %dma_wait3A_569 = arith.constant 0 : i32
    %dma_wait3A_570 = tpu.memref_slice %dma_wait3A_567[%dma_wait3A_568, %dma_wait3A_569] : memref<248x256xf32, #tpu.memory_space<vmem>> -> memref<248x256xf32, #tpu.memory_space<vmem>>
    tpu.wait_dma2 semaphore(%arg8 : memref<!tpu.dma_semaphore, #tpu.memory_space<semaphore_mem>>) src(%dma_wait3A_570 : memref<248x256xf32, #tpu.memory_space<vmem>>) dst(%dma_wait3A_563 : memref<248x256xf32, #tpu.memory_space<hbm>>)
    %add3A_571 = arith.constant 1488 : i32
    %add3A_572 = arith.addi %mul3A_129, %add3A_571 : i32
    %dma_start3A_573 = arith.constant 0 : i32
    %dma_start3A_574 = arith.constant 0 : i32
    %dma_start3A_575 = arith.constant 0 : i32
    %dma_start3A_576 = tpu.memref_slice %arg4[%dma_start3A_573, %dma_start3A_574, %dma_start3A_575] : memref<2x248x256xf32, #tpu.memory_space<vmem>> -> memref<1x248x256xf32, #tpu.memory_space<vmem>>
    %dma_start3A_577 = tpu.memref_squeeze %dma_start3A_576 : memref<1x248x256xf32, #tpu.memory_space<vmem>> -> memref<248x256xf32, #tpu.memory_space<vmem>>
    %dma_start3A_578 = arith.constant 0 : i32
    %dma_start3A_579 = arith.constant 0 : i32
    %dma_start3A_580 = tpu.memref_slice %dma_start3A_577[%dma_start3A_578, %dma_start3A_579] : memref<248x256xf32, #tpu.memory_space<vmem>> -> memref<248x256xf32, #tpu.memory_space<vmem>>
    %dma_start3A_581 = arith.constant 0 : i32
    %dma_start3A_582 = tpu.memref_slice %arg2[%add3A_572, %dma_start3A_581] : memref<262144x256xf32, #tpu.memory_space<hbm>> -> memref<248x256xf32, #tpu.memory_space<hbm>>
    %dma_start3A_583 = arith.constant 0 : i32
    %dma_start3A_584 = arith.constant 0 : i32
    %dma_start3A_585 = tpu.memref_slice %arg4[%dma_start3A_573, %dma_start3A_583, %dma_start3A_584] : memref<2x248x256xf32, #tpu.memory_space<vmem>> -> memref<1x248x256xf32, #tpu.memory_space<vmem>>
    %dma_start3A_586 = tpu.memref_squeeze %dma_start3A_585 : memref<1x248x256xf32, #tpu.memory_space<vmem>> -> memref<248x256xf32, #tpu.memory_space<vmem>>
    %dma_start3A_587 = arith.constant 0 : i32
    %dma_start3A_588 = arith.constant 0 : i32
    %dma_start3A_589 = tpu.memref_slice %dma_start3A_586[%dma_start3A_587, %dma_start3A_588] : memref<248x256xf32, #tpu.memory_space<vmem>> -> memref<248x256xf32, #tpu.memory_space<vmem>>
    %dma_start3A_590 = arith.constant 0 : i32
    %dma_start3A_591 = tpu.memref_slice %arg2[%add3A_572, %dma_start3A_590] : memref<262144x256xf32, #tpu.memory_space<hbm>> -> memref<248x256xf32, #tpu.memory_space<hbm>>
    tpu.enqueue_dma source(%dma_start3A_591 : memref<248x256xf32, #tpu.memory_space<hbm>>) target(%dma_start3A_589 : memref<248x256xf32, #tpu.memory_space<vmem>>) target_semaphore(%arg5 : memref<!tpu.dma_semaphore, #tpu.memory_space<semaphore_mem>>)
    %add3A_592 = arith.constant 1240 : i32
    %add3A_593 = arith.addi %mul3A_129, %add3A_592 : i32
    %dma_wait3A_594 = arith.constant 1 : i32
    %dma_wait3A_595 = arith.constant 0 : i32
    %dma_wait3A_596 = arith.constant 0 : i32
    %dma_wait3A_597 = tpu.memref_slice %arg4[%dma_wait3A_594, %dma_wait3A_595, %dma_wait3A_596] : memref<2x248x256xf32, #tpu.memory_space<vmem>> -> memref<1x248x256xf32, #tpu.memory_space<vmem>>
    %dma_wait3A_598 = tpu.memref_squeeze %dma_wait3A_597 : memref<1x248x256xf32, #tpu.memory_space<vmem>> -> memref<248x256xf32, #tpu.memory_space<vmem>>
    %dma_wait3A_599 = arith.constant 0 : i32
    %dma_wait3A_600 = arith.constant 0 : i32
    %dma_wait3A_601 = tpu.memref_slice %dma_wait3A_598[%dma_wait3A_599, %dma_wait3A_600] : memref<248x256xf32, #tpu.memory_space<vmem>> -> memref<248x256xf32, #tpu.memory_space<vmem>>
    %dma_wait3A_602 = arith.constant 0 : i32
    %dma_wait3A_603 = tpu.memref_slice %arg2[%add3A_593, %dma_wait3A_602] : memref<262144x256xf32, #tpu.memory_space<hbm>> -> memref<248x256xf32, #tpu.memory_space<hbm>>
    %dma_wait3A_604 = arith.constant 0 : i32
    %dma_wait3A_605 = arith.constant 0 : i32
    %dma_wait3A_606 = tpu.memref_slice %arg4[%dma_wait3A_594, %dma_wait3A_604, %dma_wait3A_605] : memref<2x248x256xf32, #tpu.memory_space<vmem>> -> memref<1x248x256xf32, #tpu.memory_space<vmem>>
    %dma_wait3A_607 = tpu.memref_squeeze %dma_wait3A_606 : memref<1x248x256xf32, #tpu.memory_space<vmem>> -> memref<248x256xf32, #tpu.memory_space<vmem>>
    %dma_wait3A_608 = arith.constant 0 : i32
    %dma_wait3A_609 = arith.constant 0 : i32
    %dma_wait3A_610 = tpu.memref_slice %dma_wait3A_607[%dma_wait3A_608, %dma_wait3A_609] : memref<248x256xf32, #tpu.memory_space<vmem>> -> memref<248x256xf32, #tpu.memory_space<vmem>>
    %dma_wait3A_611 = arith.constant 0 : i32
    %dma_wait3A_612 = tpu.memref_slice %arg2[%add3A_593, %dma_wait3A_611] : memref<262144x256xf32, #tpu.memory_space<hbm>> -> memref<248x256xf32, #tpu.memory_space<hbm>>
    tpu.wait_dma2 semaphore(%arg6 : memref<!tpu.dma_semaphore, #tpu.memory_space<semaphore_mem>>) src(%dma_wait3A_612 : memref<248x256xf32, #tpu.memory_space<hbm>>) dst(%dma_wait3A_610 : memref<248x256xf32, #tpu.memory_space<vmem>>)
    %add3A_613 = arith.constant 1240 : i32
    %add3A_614 = arith.addi %mul3A_131, %add3A_613 : i32
    %dma_start3A_615 = arith.constant 1 : i32
    %dma_start3A_616 = arith.constant 0 : i32
    %dma_start3A_617 = arith.constant 0 : i32
    %dma_start3A_618 = tpu.memref_slice %arg4[%dma_start3A_615, %dma_start3A_616, %dma_start3A_617] : memref<2x248x256xf32, #tpu.memory_space<vmem>> -> memref<1x248x256xf32, #tpu.memory_space<vmem>>
    %dma_start3A_619 = tpu.memref_squeeze %dma_start3A_618 : memref<1x248x256xf32, #tpu.memory_space<vmem>> -> memref<248x256xf32, #tpu.memory_space<vmem>>
    %dma_start3A_620 = arith.constant 0 : i32
    %dma_start3A_621 = arith.constant 0 : i32
    %dma_start3A_622 = tpu.memref_slice %dma_start3A_619[%dma_start3A_620, %dma_start3A_621] : memref<248x256xf32, #tpu.memory_space<vmem>> -> memref<248x256xf32, #tpu.memory_space<vmem>>
    %dma_start3A_623 = arith.constant 0 : i32
    %dma_start3A_624 = tpu.memref_slice %arg3[%add3A_614, %dma_start3A_623] : memref<65536x256xf32, #tpu.memory_space<hbm>> -> memref<248x256xf32, #tpu.memory_space<hbm>>
    %dma_start3A_625 = arith.constant 0 : i32
    %dma_start3A_626 = tpu.memref_slice %arg3[%add3A_614, %dma_start3A_625] : memref<65536x256xf32, #tpu.memory_space<hbm>> -> memref<248x256xf32, #tpu.memory_space<hbm>>
    %dma_start3A_627 = arith.constant 0 : i32
    %dma_start3A_628 = arith.constant 0 : i32
    %dma_start3A_629 = tpu.memref_slice %arg4[%dma_start3A_615, %dma_start3A_627, %dma_start3A_628] : memref<2x248x256xf32, #tpu.memory_space<vmem>> -> memref<1x248x256xf32, #tpu.memory_space<vmem>>
    %dma_start3A_630 = tpu.memref_squeeze %dma_start3A_629 : memref<1x248x256xf32, #tpu.memory_space<vmem>> -> memref<248x256xf32, #tpu.memory_space<vmem>>
    %dma_start3A_631 = arith.constant 0 : i32
    %dma_start3A_632 = arith.constant 0 : i32
    %dma_start3A_633 = tpu.memref_slice %dma_start3A_630[%dma_start3A_631, %dma_start3A_632] : memref<248x256xf32, #tpu.memory_space<vmem>> -> memref<248x256xf32, #tpu.memory_space<vmem>>
    tpu.enqueue_dma source(%dma_start3A_633 : memref<248x256xf32, #tpu.memory_space<vmem>>) target(%dma_start3A_626 : memref<248x256xf32, #tpu.memory_space<hbm>>) target_semaphore(%arg9 : memref<!tpu.dma_semaphore, #tpu.memory_space<semaphore_mem>>)
    %add3A_634 = arith.constant 1240 : i32
    %add3A_635 = arith.addi %mul3A_131, %add3A_634 : i32
    %dma_wait3A_636 = arith.constant 1 : i32
    %dma_wait3A_637 = arith.constant 0 : i32
    %dma_wait3A_638 = arith.constant 0 : i32
    %dma_wait3A_639 = tpu.memref_slice %arg4[%dma_wait3A_636, %dma_wait3A_637, %dma_wait3A_638] : memref<2x248x256xf32, #tpu.memory_space<vmem>> -> memref<1x248x256xf32, #tpu.memory_space<vmem>>
    %dma_wait3A_640 = tpu.memref_squeeze %dma_wait3A_639 : memref<1x248x256xf32, #tpu.memory_space<vmem>> -> memref<248x256xf32, #tpu.memory_space<vmem>>
    %dma_wait3A_641 = arith.constant 0 : i32
    %dma_wait3A_642 = arith.constant 0 : i32
    %dma_wait3A_643 = tpu.memref_slice %dma_wait3A_640[%dma_wait3A_641, %dma_wait3A_642] : memref<248x256xf32, #tpu.memory_space<vmem>> -> memref<248x256xf32, #tpu.memory_space<vmem>>
    %dma_wait3A_644 = arith.constant 0 : i32
    %dma_wait3A_645 = tpu.memref_slice %arg3[%add3A_635, %dma_wait3A_644] : memref<65536x256xf32, #tpu.memory_space<hbm>> -> memref<248x256xf32, #tpu.memory_space<hbm>>
    %dma_wait3A_646 = arith.constant 0 : i32
    %dma_wait3A_647 = tpu.memref_slice %arg3[%add3A_635, %dma_wait3A_646] : memref<65536x256xf32, #tpu.memory_space<hbm>> -> memref<248x256xf32, #tpu.memory_space<hbm>>
    %dma_wait3A_648 = arith.constant 0 : i32
    %dma_wait3A_649 = arith.constant 0 : i32
    %dma_wait3A_650 = tpu.memref_slice %arg4[%dma_wait3A_636, %dma_wait3A_648, %dma_wait3A_649] : memref<2x248x256xf32, #tpu.memory_space<vmem>> -> memref<1x248x256xf32, #tpu.memory_space<vmem>>
    %dma_wait3A_651 = tpu.memref_squeeze %dma_wait3A_650 : memref<1x248x256xf32, #tpu.memory_space<vmem>> -> memref<248x256xf32, #tpu.memory_space<vmem>>
    %dma_wait3A_652 = arith.constant 0 : i32
    %dma_wait3A_653 = arith.constant 0 : i32
    %dma_wait3A_654 = tpu.memref_slice %dma_wait3A_651[%dma_wait3A_652, %dma_wait3A_653] : memref<248x256xf32, #tpu.memory_space<vmem>> -> memref<248x256xf32, #tpu.memory_space<vmem>>
    tpu.wait_dma2 semaphore(%arg9 : memref<!tpu.dma_semaphore, #tpu.memory_space<semaphore_mem>>) src(%dma_wait3A_654 : memref<248x256xf32, #tpu.memory_space<vmem>>) dst(%dma_wait3A_647 : memref<248x256xf32, #tpu.memory_space<hbm>>)
    %add3A_655 = arith.constant 1736 : i32
    %add3A_656 = arith.addi %mul3A_129, %add3A_655 : i32
    %dma_start3A_657 = arith.constant 1 : i32
    %dma_start3A_658 = arith.constant 0 : i32
    %dma_start3A_659 = arith.constant 0 : i32
    %dma_start3A_660 = tpu.memref_slice %arg4[%dma_start3A_657, %dma_start3A_658, %dma_start3A_659] : memref<2x248x256xf32, #tpu.memory_space<vmem>> -> memref<1x248x256xf32, #tpu.memory_space<vmem>>
    %dma_start3A_661 = tpu.memref_squeeze %dma_start3A_660 : memref<1x248x256xf32, #tpu.memory_space<vmem>> -> memref<248x256xf32, #tpu.memory_space<vmem>>
    %dma_start3A_662 = arith.constant 0 : i32
    %dma_start3A_663 = arith.constant 0 : i32
    %dma_start3A_664 = tpu.memref_slice %dma_start3A_661[%dma_start3A_662, %dma_start3A_663] : memref<248x256xf32, #tpu.memory_space<vmem>> -> memref<248x256xf32, #tpu.memory_space<vmem>>
    %dma_start3A_665 = arith.constant 0 : i32
    %dma_start3A_666 = tpu.memref_slice %arg2[%add3A_656, %dma_start3A_665] : memref<262144x256xf32, #tpu.memory_space<hbm>> -> memref<248x256xf32, #tpu.memory_space<hbm>>
    %dma_start3A_667 = arith.constant 0 : i32
    %dma_start3A_668 = arith.constant 0 : i32
    %dma_start3A_669 = tpu.memref_slice %arg4[%dma_start3A_657, %dma_start3A_667, %dma_start3A_668] : memref<2x248x256xf32, #tpu.memory_space<vmem>> -> memref<1x248x256xf32, #tpu.memory_space<vmem>>
    %dma_start3A_670 = tpu.memref_squeeze %dma_start3A_669 : memref<1x248x256xf32, #tpu.memory_space<vmem>> -> memref<248x256xf32, #tpu.memory_space<vmem>>
    %dma_start3A_671 = arith.constant 0 : i32
    %dma_start3A_672 = arith.constant 0 : i32
    %dma_start3A_673 = tpu.memref_slice %dma_start3A_670[%dma_start3A_671, %dma_start3A_672] : memref<248x256xf32, #tpu.memory_space<vmem>> -> memref<248x256xf32, #tpu.memory_space<vmem>>
    %dma_start3A_674 = arith.constant 0 : i32
    %dma_start3A_675 = tpu.memref_slice %arg2[%add3A_656, %dma_start3A_674] : memref<262144x256xf32, #tpu.memory_space<hbm>> -> memref<248x256xf32, #tpu.memory_space<hbm>>
    tpu.enqueue_dma source(%dma_start3A_675 : memref<248x256xf32, #tpu.memory_space<hbm>>) target(%dma_start3A_673 : memref<248x256xf32, #tpu.memory_space<vmem>>) target_semaphore(%arg6 : memref<!tpu.dma_semaphore, #tpu.memory_space<semaphore_mem>>)
    %add3A_676 = arith.constant 1488 : i32
    %add3A_677 = arith.addi %mul3A_129, %add3A_676 : i32
    %dma_wait3A_678 = arith.constant 0 : i32
    %dma_wait3A_679 = arith.constant 0 : i32
    %dma_wait3A_680 = arith.constant 0 : i32
    %dma_wait3A_681 = tpu.memref_slice %arg4[%dma_wait3A_678, %dma_wait3A_679, %dma_wait3A_680] : memref<2x248x256xf32, #tpu.memory_space<vmem>> -> memref<1x248x256xf32, #tpu.memory_space<vmem>>
    %dma_wait3A_682 = tpu.memref_squeeze %dma_wait3A_681 : memref<1x248x256xf32, #tpu.memory_space<vmem>> -> memref<248x256xf32, #tpu.memory_space<vmem>>
    %dma_wait3A_683 = arith.constant 0 : i32
    %dma_wait3A_684 = arith.constant 0 : i32
    %dma_wait3A_685 = tpu.memref_slice %dma_wait3A_682[%dma_wait3A_683, %dma_wait3A_684] : memref<248x256xf32, #tpu.memory_space<vmem>> -> memref<248x256xf32, #tpu.memory_space<vmem>>
    %dma_wait3A_686 = arith.constant 0 : i32
    %dma_wait3A_687 = tpu.memref_slice %arg2[%add3A_677, %dma_wait3A_686] : memref<262144x256xf32, #tpu.memory_space<hbm>> -> memref<248x256xf32, #tpu.memory_space<hbm>>
    %dma_wait3A_688 = arith.constant 0 : i32
    %dma_wait3A_689 = arith.constant 0 : i32
    %dma_wait3A_690 = tpu.memref_slice %arg4[%dma_wait3A_678, %dma_wait3A_688, %dma_wait3A_689] : memref<2x248x256xf32, #tpu.memory_space<vmem>> -> memref<1x248x256xf32, #tpu.memory_space<vmem>>
    %dma_wait3A_691 = tpu.memref_squeeze %dma_wait3A_690 : memref<1x248x256xf32, #tpu.memory_space<vmem>> -> memref<248x256xf32, #tpu.memory_space<vmem>>
    %dma_wait3A_692 = arith.constant 0 : i32
    %dma_wait3A_693 = arith.constant 0 : i32
    %dma_wait3A_694 = tpu.memref_slice %dma_wait3A_691[%dma_wait3A_692, %dma_wait3A_693] : memref<248x256xf32, #tpu.memory_space<vmem>> -> memref<248x256xf32, #tpu.memory_space<vmem>>
    %dma_wait3A_695 = arith.constant 0 : i32
    %dma_wait3A_696 = tpu.memref_slice %arg2[%add3A_677, %dma_wait3A_695] : memref<262144x256xf32, #tpu.memory_space<hbm>> -> memref<248x256xf32, #tpu.memory_space<hbm>>
    tpu.wait_dma2 semaphore(%arg5 : memref<!tpu.dma_semaphore, #tpu.memory_space<semaphore_mem>>) src(%dma_wait3A_696 : memref<248x256xf32, #tpu.memory_space<hbm>>) dst(%dma_wait3A_694 : memref<248x256xf32, #tpu.memory_space<vmem>>)
    %add3A_697 = arith.constant 1488 : i32
    %add3A_698 = arith.addi %mul3A_131, %add3A_697 : i32
    %dma_start3A_699 = arith.constant 0 : i32
    %dma_start3A_700 = arith.constant 0 : i32
    %dma_start3A_701 = arith.constant 0 : i32
    %dma_start3A_702 = tpu.memref_slice %arg4[%dma_start3A_699, %dma_start3A_700, %dma_start3A_701] : memref<2x248x256xf32, #tpu.memory_space<vmem>> -> memref<1x248x256xf32, #tpu.memory_space<vmem>>
    %dma_start3A_703 = tpu.memref_squeeze %dma_start3A_702 : memref<1x248x256xf32, #tpu.memory_space<vmem>> -> memref<248x256xf32, #tpu.memory_space<vmem>>
    %dma_start3A_704 = arith.constant 0 : i32
    %dma_start3A_705 = arith.constant 0 : i32
    %dma_start3A_706 = tpu.memref_slice %dma_start3A_703[%dma_start3A_704, %dma_start3A_705] : memref<248x256xf32, #tpu.memory_space<vmem>> -> memref<248x256xf32, #tpu.memory_space<vmem>>
    %dma_start3A_707 = arith.constant 0 : i32
    %dma_start3A_708 = tpu.memref_slice %arg3[%add3A_698, %dma_start3A_707] : memref<65536x256xf32, #tpu.memory_space<hbm>> -> memref<248x256xf32, #tpu.memory_space<hbm>>
    %dma_start3A_709 = arith.constant 0 : i32
    %dma_start3A_710 = tpu.memref_slice %arg3[%add3A_698, %dma_start3A_709] : memref<65536x256xf32, #tpu.memory_space<hbm>> -> memref<248x256xf32, #tpu.memory_space<hbm>>
    %dma_start3A_711 = arith.constant 0 : i32
    %dma_start3A_712 = arith.constant 0 : i32
    %dma_start3A_713 = tpu.memref_slice %arg4[%dma_start3A_699, %dma_start3A_711, %dma_start3A_712] : memref<2x248x256xf32, #tpu.memory_space<vmem>> -> memref<1x248x256xf32, #tpu.memory_space<vmem>>
    %dma_start3A_714 = tpu.memref_squeeze %dma_start3A_713 : memref<1x248x256xf32, #tpu.memory_space<vmem>> -> memref<248x256xf32, #tpu.memory_space<vmem>>
    %dma_start3A_715 = arith.constant 0 : i32
    %dma_start3A_716 = arith.constant 0 : i32
    %dma_start3A_717 = tpu.memref_slice %dma_start3A_714[%dma_start3A_715, %dma_start3A_716] : memref<248x256xf32, #tpu.memory_space<vmem>> -> memref<248x256xf32, #tpu.memory_space<vmem>>
    tpu.enqueue_dma source(%dma_start3A_717 : memref<248x256xf32, #tpu.memory_space<vmem>>) target(%dma_start3A_710 : memref<248x256xf32, #tpu.memory_space<hbm>>) target_semaphore(%arg8 : memref<!tpu.dma_semaphore, #tpu.memory_space<semaphore_mem>>)
    %add3A_718 = arith.constant 1488 : i32
    %add3A_719 = arith.addi %mul3A_131, %add3A_718 : i32
    %dma_wait3A_720 = arith.constant 0 : i32
    %dma_wait3A_721 = arith.constant 0 : i32
    %dma_wait3A_722 = arith.constant 0 : i32
    %dma_wait3A_723 = tpu.memref_slice %arg4[%dma_wait3A_720, %dma_wait3A_721, %dma_wait3A_722] : memref<2x248x256xf32, #tpu.memory_space<vmem>> -> memref<1x248x256xf32, #tpu.memory_space<vmem>>
    %dma_wait3A_724 = tpu.memref_squeeze %dma_wait3A_723 : memref<1x248x256xf32, #tpu.memory_space<vmem>> -> memref<248x256xf32, #tpu.memory_space<vmem>>
    %dma_wait3A_725 = arith.constant 0 : i32
    %dma_wait3A_726 = arith.constant 0 : i32
    %dma_wait3A_727 = tpu.memref_slice %dma_wait3A_724[%dma_wait3A_725, %dma_wait3A_726] : memref<248x256xf32, #tpu.memory_space<vmem>> -> memref<248x256xf32, #tpu.memory_space<vmem>>
    %dma_wait3A_728 = arith.constant 0 : i32
    %dma_wait3A_729 = tpu.memref_slice %arg3[%add3A_719, %dma_wait3A_728] : memref<65536x256xf32, #tpu.memory_space<hbm>> -> memref<248x256xf32, #tpu.memory_space<hbm>>
    %dma_wait3A_730 = arith.constant 0 : i32
    %dma_wait3A_731 = tpu.memref_slice %arg3[%add3A_719, %dma_wait3A_730] : memref<65536x256xf32, #tpu.memory_space<hbm>> -> memref<248x256xf32, #tpu.memory_space<hbm>>
    %dma_wait3A_732 = arith.constant 0 : i32
    %dma_wait3A_733 = arith.constant 0 : i32
    %dma_wait3A_734 = tpu.memref_slice %arg4[%dma_wait3A_720, %dma_wait3A_732, %dma_wait3A_733] : memref<2x248x256xf32, #tpu.memory_space<vmem>> -> memref<1x248x256xf32, #tpu.memory_space<vmem>>
    %dma_wait3A_735 = tpu.memref_squeeze %dma_wait3A_734 : memref<1x248x256xf32, #tpu.memory_space<vmem>> -> memref<248x256xf32, #tpu.memory_space<vmem>>
    %dma_wait3A_736 = arith.constant 0 : i32
    %dma_wait3A_737 = arith.constant 0 : i32
    %dma_wait3A_738 = tpu.memref_slice %dma_wait3A_735[%dma_wait3A_736, %dma_wait3A_737] : memref<248x256xf32, #tpu.memory_space<vmem>> -> memref<248x256xf32, #tpu.memory_space<vmem>>
    tpu.wait_dma2 semaphore(%arg8 : memref<!tpu.dma_semaphore, #tpu.memory_space<semaphore_mem>>) src(%dma_wait3A_738 : memref<248x256xf32, #tpu.memory_space<vmem>>) dst(%dma_wait3A_731 : memref<248x256xf32, #tpu.memory_space<hbm>>)
    %add3A_739 = arith.constant 1984 : i32
    %add3A_740 = arith.addi %mul3A_129, %add3A_739 : i32
    %dma_start3A_741 = arith.constant 0 : i32
    %dma_start3A_742 = arith.constant 0 : i32
    %dma_start3A_743 = arith.constant 0 : i32
    %dma_start3A_744 = tpu.memref_slice %arg4[%dma_start3A_741, %dma_start3A_742, %dma_start3A_743] : memref<2x248x256xf32, #tpu.memory_space<vmem>> -> memref<1x248x256xf32, #tpu.memory_space<vmem>>
    %dma_start3A_745 = tpu.memref_squeeze %dma_start3A_744 : memref<1x248x256xf32, #tpu.memory_space<vmem>> -> memref<248x256xf32, #tpu.memory_space<vmem>>
    %dma_start3A_746 = arith.constant 0 : i32
    %dma_start3A_747 = arith.constant 0 : i32
    %dma_start3A_748 = tpu.memref_slice %dma_start3A_745[%dma_start3A_746, %dma_start3A_747] : memref<248x256xf32, #tpu.memory_space<vmem>> -> memref<64x256xf32, #tpu.memory_space<vmem>>
    %dma_start3A_749 = arith.constant 0 : i32
    %dma_start3A_750 = tpu.memref_slice %arg2[%add3A_740, %dma_start3A_749] : memref<262144x256xf32, #tpu.memory_space<hbm>> -> memref<64x256xf32, #tpu.memory_space<hbm>>
    %dma_start3A_751 = arith.constant 0 : i32
    %dma_start3A_752 = arith.constant 0 : i32
    %dma_start3A_753 = tpu.memref_slice %arg4[%dma_start3A_741, %dma_start3A_751, %dma_start3A_752] : memref<2x248x256xf32, #tpu.memory_space<vmem>> -> memref<1x248x256xf32, #tpu.memory_space<vmem>>
    %dma_start3A_754 = tpu.memref_squeeze %dma_start3A_753 : memref<1x248x256xf32, #tpu.memory_space<vmem>> -> memref<248x256xf32, #tpu.memory_space<vmem>>
    %dma_start3A_755 = arith.constant 0 : i32
    %dma_start3A_756 = arith.constant 0 : i32
    %dma_start3A_757 = tpu.memref_slice %dma_start3A_754[%dma_start3A_755, %dma_start3A_756] : memref<248x256xf32, #tpu.memory_space<vmem>> -> memref<64x256xf32, #tpu.memory_space<vmem>>
    %dma_start3A_758 = arith.constant 0 : i32
    %dma_start3A_759 = tpu.memref_slice %arg2[%add3A_740, %dma_start3A_758] : memref<262144x256xf32, #tpu.memory_space<hbm>> -> memref<64x256xf32, #tpu.memory_space<hbm>>
    tpu.enqueue_dma source(%dma_start3A_759 : memref<64x256xf32, #tpu.memory_space<hbm>>) target(%dma_start3A_757 : memref<64x256xf32, #tpu.memory_space<vmem>>) target_semaphore(%arg5 : memref<!tpu.dma_semaphore, #tpu.memory_space<semaphore_mem>>)
    %add3A_760 = arith.constant 1736 : i32
    %add3A_761 = arith.addi %mul3A_129, %add3A_760 : i32
    %dma_wait3A_762 = arith.constant 1 : i32
    %dma_wait3A_763 = arith.constant 0 : i32
    %dma_wait3A_764 = arith.constant 0 : i32
    %dma_wait3A_765 = tpu.memref_slice %arg4[%dma_wait3A_762, %dma_wait3A_763, %dma_wait3A_764] : memref<2x248x256xf32, #tpu.memory_space<vmem>> -> memref<1x248x256xf32, #tpu.memory_space<vmem>>
    %dma_wait3A_766 = tpu.memref_squeeze %dma_wait3A_765 : memref<1x248x256xf32, #tpu.memory_space<vmem>> -> memref<248x256xf32, #tpu.memory_space<vmem>>
    %dma_wait3A_767 = arith.constant 0 : i32
    %dma_wait3A_768 = arith.constant 0 : i32
    %dma_wait3A_769 = tpu.memref_slice %dma_wait3A_766[%dma_wait3A_767, %dma_wait3A_768] : memref<248x256xf32, #tpu.memory_space<vmem>> -> memref<248x256xf32, #tpu.memory_space<vmem>>
    %dma_wait3A_770 = arith.constant 0 : i32
    %dma_wait3A_771 = tpu.memref_slice %arg2[%add3A_761, %dma_wait3A_770] : memref<262144x256xf32, #tpu.memory_space<hbm>> -> memref<248x256xf32, #tpu.memory_space<hbm>>
    %dma_wait3A_772 = arith.constant 0 : i32
    %dma_wait3A_773 = arith.constant 0 : i32
    %dma_wait3A_774 = tpu.memref_slice %arg4[%dma_wait3A_762, %dma_wait3A_772, %dma_wait3A_773] : memref<2x248x256xf32, #tpu.memory_space<vmem>> -> memref<1x248x256xf32, #tpu.memory_space<vmem>>
    %dma_wait3A_775 = tpu.memref_squeeze %dma_wait3A_774 : memref<1x248x256xf32, #tpu.memory_space<vmem>> -> memref<248x256xf32, #tpu.memory_space<vmem>>
    %dma_wait3A_776 = arith.constant 0 : i32
    %dma_wait3A_777 = arith.constant 0 : i32
    %dma_wait3A_778 = tpu.memref_slice %dma_wait3A_775[%dma_wait3A_776, %dma_wait3A_777] : memref<248x256xf32, #tpu.memory_space<vmem>> -> memref<248x256xf32, #tpu.memory_space<vmem>>
    %dma_wait3A_779 = arith.constant 0 : i32
    %dma_wait3A_780 = tpu.memref_slice %arg2[%add3A_761, %dma_wait3A_779] : memref<262144x256xf32, #tpu.memory_space<hbm>> -> memref<248x256xf32, #tpu.memory_space<hbm>>
    tpu.wait_dma2 semaphore(%arg6 : memref<!tpu.dma_semaphore, #tpu.memory_space<semaphore_mem>>) src(%dma_wait3A_780 : memref<248x256xf32, #tpu.memory_space<hbm>>) dst(%dma_wait3A_778 : memref<248x256xf32, #tpu.memory_space<vmem>>)
    %add3A_781 = arith.constant 1736 : i32
    %add3A_782 = arith.addi %mul3A_131, %add3A_781 : i32
    %dma_start3A_783 = arith.constant 1 : i32
    %dma_start3A_784 = arith.constant 0 : i32
    %dma_start3A_785 = arith.constant 0 : i32
    %dma_start3A_786 = tpu.memref_slice %arg4[%dma_start3A_783, %dma_start3A_784, %dma_start3A_785] : memref<2x248x256xf32, #tpu.memory_space<vmem>> -> memref<1x248x256xf32, #tpu.memory_space<vmem>>
    %dma_start3A_787 = tpu.memref_squeeze %dma_start3A_786 : memref<1x248x256xf32, #tpu.memory_space<vmem>> -> memref<248x256xf32, #tpu.memory_space<vmem>>
    %dma_start3A_788 = arith.constant 0 : i32
    %dma_start3A_789 = arith.constant 0 : i32
    %dma_start3A_790 = tpu.memref_slice %dma_start3A_787[%dma_start3A_788, %dma_start3A_789] : memref<248x256xf32, #tpu.memory_space<vmem>> -> memref<248x256xf32, #tpu.memory_space<vmem>>
    %dma_start3A_791 = arith.constant 0 : i32
    %dma_start3A_792 = tpu.memref_slice %arg3[%add3A_782, %dma_start3A_791] : memref<65536x256xf32, #tpu.memory_space<hbm>> -> memref<248x256xf32, #tpu.memory_space<hbm>>
    %dma_start3A_793 = arith.constant 0 : i32
    %dma_start3A_794 = tpu.memref_slice %arg3[%add3A_782, %dma_start3A_793] : memref<65536x256xf32, #tpu.memory_space<hbm>> -> memref<248x256xf32, #tpu.memory_space<hbm>>
    %dma_start3A_795 = arith.constant 0 : i32
    %dma_start3A_796 = arith.constant 0 : i32
    %dma_start3A_797 = tpu.memref_slice %arg4[%dma_start3A_783, %dma_start3A_795, %dma_start3A_796] : memref<2x248x256xf32, #tpu.memory_space<vmem>> -> memref<1x248x256xf32, #tpu.memory_space<vmem>>
    %dma_start3A_798 = tpu.memref_squeeze %dma_start3A_797 : memref<1x248x256xf32, #tpu.memory_space<vmem>> -> memref<248x256xf32, #tpu.memory_space<vmem>>
    %dma_start3A_799 = arith.constant 0 : i32
    %dma_start3A_800 = arith.constant 0 : i32
    %dma_start3A_801 = tpu.memref_slice %dma_start3A_798[%dma_start3A_799, %dma_start3A_800] : memref<248x256xf32, #tpu.memory_space<vmem>> -> memref<248x256xf32, #tpu.memory_space<vmem>>
    tpu.enqueue_dma source(%dma_start3A_801 : memref<248x256xf32, #tpu.memory_space<vmem>>) target(%dma_start3A_794 : memref<248x256xf32, #tpu.memory_space<hbm>>) target_semaphore(%arg9 : memref<!tpu.dma_semaphore, #tpu.memory_space<semaphore_mem>>)
    %add3A_802 = arith.constant 1984 : i32
    %add3A_803 = arith.addi %mul3A_129, %add3A_802 : i32
    %dma_wait3A_804 = arith.constant 0 : i32
    %dma_wait3A_805 = arith.constant 0 : i32
    %dma_wait3A_806 = arith.constant 0 : i32
    %dma_wait3A_807 = tpu.memref_slice %arg4[%dma_wait3A_804, %dma_wait3A_805, %dma_wait3A_806] : memref<2x248x256xf32, #tpu.memory_space<vmem>> -> memref<1x248x256xf32, #tpu.memory_space<vmem>>
    %dma_wait3A_808 = tpu.memref_squeeze %dma_wait3A_807 : memref<1x248x256xf32, #tpu.memory_space<vmem>> -> memref<248x256xf32, #tpu.memory_space<vmem>>
    %dma_wait3A_809 = arith.constant 0 : i32
    %dma_wait3A_810 = arith.constant 0 : i32
    %dma_wait3A_811 = tpu.memref_slice %dma_wait3A_808[%dma_wait3A_809, %dma_wait3A_810] : memref<248x256xf32, #tpu.memory_space<vmem>> -> memref<64x256xf32, #tpu.memory_space<vmem>>
    %dma_wait3A_812 = arith.constant 0 : i32
    %dma_wait3A_813 = tpu.memref_slice %arg2[%add3A_803, %dma_wait3A_812] : memref<262144x256xf32, #tpu.memory_space<hbm>> -> memref<64x256xf32, #tpu.memory_space<hbm>>
    %dma_wait3A_814 = arith.constant 0 : i32
    %dma_wait3A_815 = arith.constant 0 : i32
    %dma_wait3A_816 = tpu.memref_slice %arg4[%dma_wait3A_804, %dma_wait3A_814, %dma_wait3A_815] : memref<2x248x256xf32, #tpu.memory_space<vmem>> -> memref<1x248x256xf32, #tpu.memory_space<vmem>>
    %dma_wait3A_817 = tpu.memref_squeeze %dma_wait3A_816 : memref<1x248x256xf32, #tpu.memory_space<vmem>> -> memref<248x256xf32, #tpu.memory_space<vmem>>
    %dma_wait3A_818 = arith.constant 0 : i32
    %dma_wait3A_819 = arith.constant 0 : i32
    %dma_wait3A_820 = tpu.memref_slice %dma_wait3A_817[%dma_wait3A_818, %dma_wait3A_819] : memref<248x256xf32, #tpu.memory_space<vmem>> -> memref<64x256xf32, #tpu.memory_space<vmem>>
    %dma_wait3A_821 = arith.constant 0 : i32
    %dma_wait3A_822 = tpu.memref_slice %arg2[%add3A_803, %dma_wait3A_821] : memref<262144x256xf32, #tpu.memory_space<hbm>> -> memref<64x256xf32, #tpu.memory_space<hbm>>
    tpu.wait_dma2 semaphore(%arg5 : memref<!tpu.dma_semaphore, #tpu.memory_space<semaphore_mem>>) src(%dma_wait3A_822 : memref<64x256xf32, #tpu.memory_space<hbm>>) dst(%dma_wait3A_820 : memref<64x256xf32, #tpu.memory_space<vmem>>)
    %add3A_823 = arith.constant 1984 : i32
    %add3A_824 = arith.addi %mul3A_131, %add3A_823 : i32
    %dma_start3A_825 = arith.constant 0 : i32
    %dma_start3A_826 = arith.constant 0 : i32
    %dma_start3A_827 = arith.constant 0 : i32
    %dma_start3A_828 = tpu.memref_slice %arg4[%dma_start3A_825, %dma_start3A_826, %dma_start3A_827] : memref<2x248x256xf32, #tpu.memory_space<vmem>> -> memref<1x248x256xf32, #tpu.memory_space<vmem>>
    %dma_start3A_829 = tpu.memref_squeeze %dma_start3A_828 : memref<1x248x256xf32, #tpu.memory_space<vmem>> -> memref<248x256xf32, #tpu.memory_space<vmem>>
    %dma_start3A_830 = arith.constant 0 : i32
    %dma_start3A_831 = arith.constant 0 : i32
    %dma_start3A_832 = tpu.memref_slice %dma_start3A_829[%dma_start3A_830, %dma_start3A_831] : memref<248x256xf32, #tpu.memory_space<vmem>> -> memref<64x256xf32, #tpu.memory_space<vmem>>
    %dma_start3A_833 = arith.constant 0 : i32
    %dma_start3A_834 = tpu.memref_slice %arg3[%add3A_824, %dma_start3A_833] : memref<65536x256xf32, #tpu.memory_space<hbm>> -> memref<64x256xf32, #tpu.memory_space<hbm>>
    %dma_start3A_835 = arith.constant 0 : i32
    %dma_start3A_836 = tpu.memref_slice %arg3[%add3A_824, %dma_start3A_835] : memref<65536x256xf32, #tpu.memory_space<hbm>> -> memref<64x256xf32, #tpu.memory_space<hbm>>
    %dma_start3A_837 = arith.constant 0 : i32
    %dma_start3A_838 = arith.constant 0 : i32
    %dma_start3A_839 = tpu.memref_slice %arg4[%dma_start3A_825, %dma_start3A_837, %dma_start3A_838] : memref<2x248x256xf32, #tpu.memory_space<vmem>> -> memref<1x248x256xf32, #tpu.memory_space<vmem>>
    %dma_start3A_840 = tpu.memref_squeeze %dma_start3A_839 : memref<1x248x256xf32, #tpu.memory_space<vmem>> -> memref<248x256xf32, #tpu.memory_space<vmem>>
    %dma_start3A_841 = arith.constant 0 : i32
    %dma_start3A_842 = arith.constant 0 : i32
    %dma_start3A_843 = tpu.memref_slice %dma_start3A_840[%dma_start3A_841, %dma_start3A_842] : memref<248x256xf32, #tpu.memory_space<vmem>> -> memref<64x256xf32, #tpu.memory_space<vmem>>
    tpu.enqueue_dma source(%dma_start3A_843 : memref<64x256xf32, #tpu.memory_space<vmem>>) target(%dma_start3A_836 : memref<64x256xf32, #tpu.memory_space<hbm>>) target_semaphore(%arg8 : memref<!tpu.dma_semaphore, #tpu.memory_space<semaphore_mem>>)
    %add3A_844 = arith.constant 1736 : i32
    %add3A_845 = arith.addi %mul3A_131, %add3A_844 : i32
    %dma_wait3A_846 = arith.constant 1 : i32
    %dma_wait3A_847 = arith.constant 0 : i32
    %dma_wait3A_848 = arith.constant 0 : i32
    %dma_wait3A_849 = tpu.memref_slice %arg4[%dma_wait3A_846, %dma_wait3A_847, %dma_wait3A_848] : memref<2x248x256xf32, #tpu.memory_space<vmem>> -> memref<1x248x256xf32, #tpu.memory_space<vmem>>
    %dma_wait3A_850 = tpu.memref_squeeze %dma_wait3A_849 : memref<1x248x256xf32, #tpu.memory_space<vmem>> -> memref<248x256xf32, #tpu.memory_space<vmem>>
    %dma_wait3A_851 = arith.constant 0 : i32
    %dma_wait3A_852 = arith.constant 0 : i32
    %dma_wait3A_853 = tpu.memref_slice %dma_wait3A_850[%dma_wait3A_851, %dma_wait3A_852] : memref<248x256xf32, #tpu.memory_space<vmem>> -> memref<248x256xf32, #tpu.memory_space<vmem>>
    %dma_wait3A_854 = arith.constant 0 : i32
    %dma_wait3A_855 = tpu.memref_slice %arg3[%add3A_845, %dma_wait3A_854] : memref<65536x256xf32, #tpu.memory_space<hbm>> -> memref<248x256xf32, #tpu.memory_space<hbm>>
    %dma_wait3A_856 = arith.constant 0 : i32
    %dma_wait3A_857 = tpu.memref_slice %arg3[%add3A_845, %dma_wait3A_856] : memref<65536x256xf32, #tpu.memory_space<hbm>> -> memref<248x256xf32, #tpu.memory_space<hbm>>
    %dma_wait3A_858 = arith.constant 0 : i32
    %dma_wait3A_859 = arith.constant 0 : i32
    %dma_wait3A_860 = tpu.memref_slice %arg4[%dma_wait3A_846, %dma_wait3A_858, %dma_wait3A_859] : memref<2x248x256xf32, #tpu.memory_space<vmem>> -> memref<1x248x256xf32, #tpu.memory_space<vmem>>
    %dma_wait3A_861 = tpu.memref_squeeze %dma_wait3A_860 : memref<1x248x256xf32, #tpu.memory_space<vmem>> -> memref<248x256xf32, #tpu.memory_space<vmem>>
    %dma_wait3A_862 = arith.constant 0 : i32
    %dma_wait3A_863 = arith.constant 0 : i32
    %dma_wait3A_864 = tpu.memref_slice %dma_wait3A_861[%dma_wait3A_862, %dma_wait3A_863] : memref<248x256xf32, #tpu.memory_space<vmem>> -> memref<248x256xf32, #tpu.memory_space<vmem>>
    tpu.wait_dma2 semaphore(%arg9 : memref<!tpu.dma_semaphore, #tpu.memory_space<semaphore_mem>>) src(%dma_wait3A_864 : memref<248x256xf32, #tpu.memory_space<vmem>>) dst(%dma_wait3A_857 : memref<248x256xf32, #tpu.memory_space<hbm>>)
    %add3A_865 = arith.constant 1984 : i32
    %add3A_866 = arith.addi %mul3A_131, %add3A_865 : i32
    %dma_wait3A_867 = arith.constant 0 : i32
    %dma_wait3A_868 = arith.constant 0 : i32
    %dma_wait3A_869 = arith.constant 0 : i32
    %dma_wait3A_870 = tpu.memref_slice %arg4[%dma_wait3A_867, %dma_wait3A_868, %dma_wait3A_869] : memref<2x248x256xf32, #tpu.memory_space<vmem>> -> memref<1x248x256xf32, #tpu.memory_space<vmem>>
    %dma_wait3A_871 = tpu.memref_squeeze %dma_wait3A_870 : memref<1x248x256xf32, #tpu.memory_space<vmem>> -> memref<248x256xf32, #tpu.memory_space<vmem>>
    %dma_wait3A_872 = arith.constant 0 : i32
    %dma_wait3A_873 = arith.constant 0 : i32
    %dma_wait3A_874 = tpu.memref_slice %dma_wait3A_871[%dma_wait3A_872, %dma_wait3A_873] : memref<248x256xf32, #tpu.memory_space<vmem>> -> memref<64x256xf32, #tpu.memory_space<vmem>>
    %dma_wait3A_875 = arith.constant 0 : i32
    %dma_wait3A_876 = tpu.memref_slice %arg3[%add3A_866, %dma_wait3A_875] : memref<65536x256xf32, #tpu.memory_space<hbm>> -> memref<64x256xf32, #tpu.memory_space<hbm>>
    %dma_wait3A_877 = arith.constant 0 : i32
    %dma_wait3A_878 = tpu.memref_slice %arg3[%add3A_866, %dma_wait3A_877] : memref<65536x256xf32, #tpu.memory_space<hbm>> -> memref<64x256xf32, #tpu.memory_space<hbm>>
    %dma_wait3A_879 = arith.constant 0 : i32
    %dma_wait3A_880 = arith.constant 0 : i32
    %dma_wait3A_881 = tpu.memref_slice %arg4[%dma_wait3A_867, %dma_wait3A_879, %dma_wait3A_880] : memref<2x248x256xf32, #tpu.memory_space<vmem>> -> memref<1x248x256xf32, #tpu.memory_space<vmem>>
    %dma_wait3A_882 = tpu.memref_squeeze %dma_wait3A_881 : memref<1x248x256xf32, #tpu.memory_space<vmem>> -> memref<248x256xf32, #tpu.memory_space<vmem>>
    %dma_wait3A_883 = arith.constant 0 : i32
    %dma_wait3A_884 = arith.constant 0 : i32
    %dma_wait3A_885 = tpu.memref_slice %dma_wait3A_882[%dma_wait3A_883, %dma_wait3A_884] : memref<248x256xf32, #tpu.memory_space<vmem>> -> memref<64x256xf32, #tpu.memory_space<vmem>>
    tpu.wait_dma2 semaphore(%arg8 : memref<!tpu.dma_semaphore, #tpu.memory_space<semaphore_mem>>) src(%dma_wait3A_885 : memref<64x256xf32, #tpu.memory_space<vmem>>) dst(%dma_wait3A_878 : memref<64x256xf32, #tpu.memory_space<hbm>>)
    return
  }
}

</mosaic_0001>

<sc_bundles>
// kernel: kernel.3.cloned.1.call-start
scs
__scs_entry_jumppad:
0x0: {  	(pc) =	sbr.rel $0x88, $3  }
0x1: {  	(tag) =	ssettag $0x0;
	lr =	simm.s32 $0x1  }
0x2: {  	[smem:$0x3FA0] =	sst lr;
	_ =	strace $0xD0000000  }
0x3: {  	_ = 	snop  }
0x4: {  	_ = 	snop  }
0x5: {  	_ = 	snop  }
0x6: {  	_ = 	snop  }
0x7: {  	_ = 	snop  }
__scs_overlays_trampoline_lowered:
0x8: {  	[smem:$0x3FAF] =	sst s0  }
0x9: {  	[smem:$0x3FB0] =	sst s1  }
0xa: {  	[smem:$0x3FB1] =	sst s2  }
0xb: {  	[smem:$0x3FB2] =	sst s3  }
0xc: {  	[smem:$0x3FB3] =	sst s4  }
0xd: {  	[smem:$0x3FB4] =	sst s5  }
0xe: {  	[smem:$0x3FB5] =	sst s6  }
0xf: {  	[smem:$0x3FB6] =	sst s7  }
0x10: {  	[smem:$0x3FB7] =	sst s8  }
0x11: {  	[smem:$0x3FB8] =	sst s9;
	s0 =	simm.s32 @!p0 $0x0  }
0x12: {  	s1 =	sld [smem:$0x3F9E];
	s0 =	simm.s32 @p0 $0x1  }
0x13: {  	[smem:$0x3FB9] =	sst s0;
	s0 =	simm.s32 @!p1 $0x0  }
0x14: {  	s2 =	sld [smem:$0x3F9D];
	s0 =	simm.s32 @p1 $0x1  }
0x15: {  	[smem:$0x3FBA] =	sst s0;
	s0 =	simm.s32 @!p2 $0x0  }
0x16: {  	s3 =	sld [smem:$0x3FDB];
	s0 =	simm.s32 @p2 $0x1  }
0x17: {  	s4 =	simm.s32 $0x1BF5;
	[smem:$0x3FBC] =	sst s0  }
0x18: {  	s0 =	sld [smem:$0x3F9F];
	_ =	swait.ge [sflag:s4], $0x0  }
0x19: {  	s7 =	sld [smem:$0x3FA0]  }
0x1a: {  	s8 =	sadd.s32 $0xFFFFE003, lr  }
0x1b: {  	s9 =	sadd.s32 $0xFFFFFEF7, lr;
	s5 =	simm.s32 $0xFFFFFFFF;
	p2 =	slt.u32 s8, $0xFFFFF086  }
0x1c: {  	p1 =	slt.u32 s9, $0xF7A;
	s5 =	simm.s32 @!p2 $0x0  }
0x1d: {  	s5 =	simm.s32 @p1 $0x1;
	p0 =	seq.s32 s7, s2  }
0x1e: {  	s7 =	smul.u32 @!p0 $0xF7A, s2;
	p2 =	seq.s32 @!p0 s5, $0x0  }
0x1f: {  	s9 =	smul.u32 $0xF7A, s1;
	s8 =	simm.s32 @!p0 $0x1BF5;
	p2 =	por !p2, p0  }
0x20: {  	[sflag:s8] =	ssyncset.s32 @!p0 $0xFFFFF086;
	s6 =	sadd.s32 @!p0 s3, s7;
	s7 =	simm.s32 @!p0 $0x108  }
0x21: {  	s3 =	sadd.s32 s3, s9;
	s6 =	sadd.s32 @!p0 $0x88, s6;
	s7 =	simm.s32 @p2 $0x1082  }
0x22: {  	[simem:s7], [sflag:s8] =	dma.local @!p0 [hbm:s6], $0xF7A  }
0x23: {  	s9 =	sor.u32 $0xD0000000, s2;
	s6 =	simm.s32 $0x108;
	_ =	swait.ge @!p0 [sflag:s8], $0x0  }
0x24: {  	s3 =	sadd.s32 $0x88, s3;
	s6 =	simm.s32 @!p1 $0x1082;
	[sflag:s4] =	ssyncset.s32 $0xFFFFF086  }
0x25: {  	[simem:s6], [sflag:s4] =	dma.local [hbm:s3], $0xF7A  }
0x26: {  	[smem:$0x3FA0] =	sst s1;
	(tag) =	ssettag s2;
	_ =	strace s9  }
0x27: {  	s1 =	sld [smem:$0x3FB0]  }
0x28: {  	s2 =	sld [smem:$0x3FB1]  }
0x29: {  	s4 =	sld [smem:$0x3FB3]  }
0x2a: {  	p0 =	seq.s32 s5, $0x0;
	s5 =	sld [smem:$0x3FB4]  }
0x2b: {  	s6 =	sld [smem:$0x3FB5]  }
0x2c: {  	s7 =	sld [smem:$0x3FB6]  }
0x2d: {  	s3 =	simm.s32 $0x108;
	s8 =	sld [smem:$0x3FB7]  }
0x2e: {  	s3 =	simm.s32 @!p0 $0x1082;
	s9 =	sld [smem:$0x3FB8]  }
0x2f: {  	lr =	sadd.s32 s0, s3;
	s0 =	sld [smem:$0x3FAF]  }
0x30: {  	s3 =	sld [smem:$0x3FB2]  }
0x31: {  	[smem:$0x3FBB] =	sst s10  }
0x32: {  	s10 =	sld [smem:$0x3FB9];
	_ =	sdelay $0x3  }
0x33: {  	p0 =	seq.s32 s10, $0x1;
	s10 =	sld [smem:$0x3FBB];
	_ =	sdelay $0x3  }
0x34: {  	[smem:$0x3FBB] =	sst s10  }
0x35: {  	s10 =	sld [smem:$0x3FBA];
	_ =	sdelay $0x3  }
0x36: {  	p1 =	seq.s32 s10, $0x1;
	s10 =	sld [smem:$0x3FBB];
	_ =	sdelay $0x3  }
0x37: {  	[smem:$0x3FBB] =	sst s10  }
0x38: {  	s10 =	sld [smem:$0x3FBC]  }
0x39: {  	_ = 	snop;
	(pc) =	sbr.ind lr, $3  }
0x3a: {  	_ = 	snop  }
0x3b: {  	_ = 	snop  }
0x3c: {  	p2 =	seq.s32 s10, $0x1;
	s10 =	sld [smem:$0x3FBB]  }
0x3d: {  	_ =	shalt  }
0x3e: {  	_ =	shalt  }
0x3f: {  	_ =	shalt  }
0x40: {  	_ =	shalt  }
0x41: {  	_ =	shalt  }
0x42: {  	_ =	shalt  }
0x43: {  	_ =	shalt  }
0x44: {  	_ =	shalt  }
0x45: {  	_ =	shalt  }
0x46: {  	_ =	shalt  }
0x47: {  	_ =	shalt  }
0x48: {  	_ =	shalt  }
0x49: {  	_ =	shalt  }
0x4a: {  	_ =	shalt  }
0x4b: {  	_ =	shalt  }
0x4c: {  	_ =	shalt  }
0x4d: {  	_ =	shalt  }
0x4e: {  	_ =	shalt  }
0x4f: {  	_ =	shalt  }
0x50: {  	_ =	shalt  }
0x51: {  	_ =	shalt  }
0x52: {  	_ =	shalt  }
0x53: {  	_ =	shalt  }
0x54: {  	_ =	shalt  }
0x55: {  	_ =	shalt  }
0x56: {  	_ =	shalt  }
0x57: {  	_ =	shalt  }
0x58: {  	_ =	shalt  }
0x59: {  	_ =	shalt  }
0x5a: {  	_ =	shalt  }
0x5b: {  	_ =	shalt  }
0x5c: {  	_ =	shalt  }
0x5d: {  	_ =	shalt  }
0x5e: {  	_ =	shalt  }
0x5f: {  	_ =	shalt  }
0x60: {  	_ =	shalt  }
0x61: {  	_ =	shalt  }
0x62: {  	_ =	shalt  }
0x63: {  	_ =	shalt  }
0x64: {  	_ =	shalt  }
0x65: {  	_ =	shalt  }
0x66: {  	_ =	shalt  }
0x67: {  	_ =	shalt  }
0x68: {  	_ =	shalt  }
0x69: {  	_ =	shalt  }
0x6a: {  	_ =	shalt  }
0x6b: {  	_ =	shalt  }
0x6c: {  	_ =	shalt  }
0x6d: {  	_ =	shalt  }
0x6e: {  	_ =	shalt  }
0x6f: {  	_ =	shalt  }
0x70: {  	_ =	shalt  }
0x71: {  	_ =	shalt  }
0x72: {  	_ =	shalt  }
0x73: {  	_ =	shalt  }
0x74: {  	_ =	shalt  }
0x75: {  	_ =	shalt  }
0x76: {  	_ =	shalt  }
0x77: {  	_ =	shalt  }
0x78: {  	_ =	shalt  }
0x79: {  	_ =	shalt  }
0x7a: {  	_ =	shalt  }
0x7b: {  	_ =	shalt  }
0x7c: {  	_ =	shalt  }
0x7d: {  	_ =	shalt  }
0x7e: {  	_ =	shalt  }
0x7f: {  	_ =	shalt  }
0x80: {  	_ =	shalt  }
0x81: {  	_ =	shalt  }
0x82: {  	_ =	shalt  }
0x83: {  	_ =	shalt  }
0x84: {  	_ =	shalt  }
0x85: {  	_ =	shalt  }
0x86: {  	_ =	shalt  }
0x87: {  	_ =	shalt  }
.Lfunc_end0:
.L_simem_size_0:
called_computation_lowered:
.L_overlay_start_0:
0x88: {  	s2 =	sld [smem:$0x3FD9]  }
0x89: {  	s3 =	sld [smem:$0x3FFE];
	_ =	sdelay $0x1  }
0x8a: {  	s1 =	srdreg.scid  }
0x8b: {  	s0 =	sand.u32 $0x1, s1  }
0x8c: {  	s18 =	sshll.u32 s0, $0xA;
	s2 =	sadd.s32 s3, s2  }
0x8d: {  	s2 =	sadd.s32 s2, s18  }
0x8e: {  	[smem:$0x3FC7] =	sst s2  }
0x8f: {  	_ = 	snop  }
0x90: {  	s2 =	sld [smem:$0x3FC9]  }
0x91: {  	s19 =	sld [smem:$0x3FD0];
	(tm) =	ssettm $0x1  }
0x92: {  	s4 =	sld [smem:$0x3FFB];
	_ =	sdelay $0x3  }
0x93: {  	_ =	strace s4  }
0x94: {  	s4 =	sld [smem:$0x3FFC];
	_ =	sdelay $0x3  }
0x95: {  	_ =	strace s4  }
0x96: {  	s4 =	sld [smem:$0x3FFD];
	_ =	sdelay $0x3  }
0x97: {  	_ =	strace s4  }
0x98: {  	_ =	strace $0x8FFFFFFF  }
0x99: {  	s20 =	sld [smem:$0x3FDB];
	_ =	sdelay $0x1  }
0x9a: {  	s5 =	simm.s32 $_scs_section_size  }
0x9b: {  	s6 =	simm.s32 $_size__tile_overlayer_lowered;
	s7 =	simm.s32 $_tile_overlayer_lowered  }
0x9c: {  	s23 =	simm.s32 $0x1BFF;
	s22 =	sshll.u32 s7, $0x1;
	s4 =	sadd.s32 s5, s20  }
0x9d: {  	s8 =	simm.s32 $0x0;
	s21 =	sshll.u32 s6, $0x1;
	s6 =	sadd.s32 s22, s4  }
0x9e: {  	[timem:s8], [sflag:s23] =	dma.local [hbm:s6], s21  }
0x9f: {  	_ =	swait.ge [sflag:s23], s21  }
0xa0: {  	s5 =	ssub.s32 $0x0, s21;
	[sflag:s23] =	ssyncset.done $0x0  }
0xa1: {  	[sflag:s23] =	ssyncadd.s32 s5;
	_ =	sdelay $0x1  }
0xa2: {  	s24 =	simm.s32 $0x1B8B  }
0xa3: {  	_ =	swait.ge [sflag:s24], $0x1  }
0xa4: {  	[sflag:s24] =	ssyncset.done $0x0  }
0xa5: {  	s25 =	simm.s32 $0x1B8E;
	[sflag:s24] =	ssyncadd.s32 $0xFFFFFFFF  }
0xa6: {  	s26 =	simm.s32 $execute0_lowered;
	[smem:$0x3FD2] =	sst s25  }
0xa7: {  	s5 =	sshll.u32 s26, $0x1;
	_ =	strace $0x80000046;
	[dreg:$0x1] =	wrdreg $0xFFFFFFFF  }
0xa8: {  	s28 =	simm.s32 $_size_execute0_lowered;
	s4 =	sadd.s32 s4, s5;
	[dreg:$0x0] =	wrdreg $0x0  }
0xa9: {  	s5 =	sshll.u32 s28, $0x1;
	[dreg:$0x2] =	wrdreg s4  }
0xaa: {  	[dreg:$0x3] =	wrdreg s5  }
0xab: {  	[dreg:$0x4] =	wrdreg $0xC0  }
0xac: {  	_ =	task [dreg:s8], $0x5FFFF  }
0xad: {  	[dreg:$0x1] =	wrdreg $0xFFFFFFFF  }
0xae: {  	[dreg:$0x0] =	wrdreg $0x60  }
0xaf: {  	[dreg:$0x2] =	wrdreg s2  }
0xb0: {  	[dreg:$0x3] =	wrdreg s19  }
0xb1: {  	[dreg:$0x4] =	wrdreg $0x9  }
0xb2: {  	_ =	task.clear_ibuf [dreg:s8], $0x5FFFF;
	_ =	strace $0x90000046  }
0xb3: {  	s29 =	simm.s32 $0x9;
	_ =	strace $0x80000048  }
0xb4: {  	_ =	swait.ge [sflag:s29], $0x1  }
0xb5: {  	[sflag:s29] =	ssyncadd.s32 $0xFFFFFFFF  }
0xb6: {  	_ =	strace $0x90000048  }
0xb7: {  	_ =	sfence  }
0xb8: {  	s30 =	sld [smem:$0x0];
	_ =	sdelay $0x2  }
0xb9: {  	s31 =	sshll.u32 s1, $0xD;
	s1 =	sshrl.u32 s1, $0x2  }
0xba: {  	s3 =	sand.u32 $0x4000, s31;
	s1 =	sadd.s32 s1, s30  }
0xbb: {  	s0 =	sor.u32 s3, s0;
	s1 =	sshll.u32 s1, $0x11  }
0xbc: {  	s0 =	sor.u32 s1, s0  }
0xbd: {  	s0 =	sadd.s32 $0x8F2B, s0  }
0xbe: {  	[sflag:s0] =	ssyncadd.remote.s32 $0x1  }
0xbf: {  	_ =	sfence.sel $0xFFFF  }
0xc0: {  	[dreg:$0x0] =	wrdreg $0xFFFFFFFF;
	(pc) =	sbr.abs _section_cstart, $3  }
0xc1: {  	[dreg:$0x1] =	wrdreg $0xFFFFFFFF  }
0xc2: {  	_ =	task.clear_ibuf [dreg:s8], $0x2FFFF;
	_ =	strace $0x9FFFFFFF  }
0xc3: {  	(tm) =	ssettm $0x7FFFFFFF  }
tec
execute0_lowered:
.L_overlay_start_1:
0x0: {  	(tag) =	ssettag $0x1  }
0x1: {  	s1 =	srdreg.scid;
	s0 =	stileid.u32  }
0x2: {  	s23 =	sand.u32 $0x1, s1;
	s29 =	sshll.u32 s0, $0x1  }
0x3: {  	s7 =	sor.u32 s23, s29  }
0x4: {  	s1 =	simm.s32 $0x2000;
	p0 =	seq.s32 s7, $0x1  }
0x5: {  	s1 =	simm.s32 @!p0 $0x0;
	p0 =	seq.s32 s7, $0x2  }
0x6: {  	s1 =	simm.s32 @p0 $0x5000;
	p0 =	seq.s32 s7, $0x3  }
0x7: {  	s1 =	simm.s32 @p0 $0xC000;
	p0 =	seq.s32 s7, $0x4  }
0x8: {  	s1 =	simm.s32 @p0 $0xD800;
	p0 =	seq.s32 s7, $0x5  }
0x9: {  	s1 =	simm.s32 @p0 $0xF000;
	p0 =	seq.s32 s7, $0x6  }
0xa: {  	s1 =	simm.s32 @p0 $0x10000;
	p0 =	seq.s32 s7, $0x7  }
0xb: {  	s1 =	simm.s32 @p0 $0x13800;
	p0 =	seq.s32 s7, $0x8  }
0xc: {  	s1 =	simm.s32 @p0 $0x18000;
	p0 =	seq.s32 s7, $0x9  }
0xd: {  	s1 =	simm.s32 @p0 $0x19000;
	p0 =	seq.s32 s7, $0xA  }
0xe: {  	s1 =	simm.s32 @p0 $0x1E000;
	p0 =	seq.s32 s7, $0xB  }
0xf: {  	s1 =	simm.s32 @p0 $0x1F800;
	p0 =	seq.s32 s7, $0xC  }
0x10: {  	s1 =	simm.s32 @p0 $0x21800;
	p0 =	seq.s32 s7, $0xD  }
0x11: {  	s1 =	simm.s32 @p0 $0x23800;
	p0 =	seq.s32 s7, $0xE  }
0x12: {  	s1 =	simm.s32 @p0 $0x25000;
	p0 =	seq.s32 s7, $0xF  }
0x13: {  	s2 =	sadd.s32 $0xFFFFFFEF, s7;
	s1 =	simm.s32 @p0 $0x26000;
	p0 =	seq.s32 s7, $0x10  }
0x14: {  	s1 =	simm.s32 @p0 $0x2F800;
	p0 =	slt.u32 s2, $0x2  }
0x15: {  	s1 =	simm.s32 @p0 $0x30000;
	p0 =	seq.s32 s7, $0x13  }
0x16: {  	s1 =	simm.s32 @p0 $0x31000;
	p0 =	seq.s32 s7, $0x14  }
0x17: {  	s1 =	simm.s32 @p0 $0x33800;
	p0 =	seq.s32 s7, $0x15  }
0x18: {  	s1 =	simm.s32 @p0 $0x35000;
	p0 =	seq.s32 s7, $0x16  }
0x19: {  	s1 =	simm.s32 @p0 $0x37800;
	p0 =	seq.s32 s7, $0x17  }
0x1a: {  	s30 =	sadd.s32 $0xFFFFFFE7, s7;
	s1 =	simm.s32 @p0 $0x38000;
	p0 =	seq.s32 s7, $0x18  }
0x1b: {  	s1 =	simm.s32 @p0 $0x39000;
	p0 =	slt.u32 s30, $0x2  }
0x1c: {  	s1 =	simm.s32 @p0 $0x3A800;
	p0 =	seq.s32 s7, $0x1B  }
0x1d: {  	s1 =	simm.s32 @p0 $0x3B800;
	p0 =	seq.s32 s0, $0xE  }
0x1e: {  	s1 =	simm.s32 @p0 $0x3C000;
	p0 =	seq.s32 s7, $0x1E  }
0x1f: {  	s1 =	simm.s32 @p0 $0x3D800;
	p0 =	seq.s32 s7, $0x1F  }
0x20: {  	s24 =	rddreg [dreg:$0x0];
	s1 =	simm.s32 @p0 $0x3E800  }
0x21: {  	s8 =	rddreg [dreg:$0x1];
	s31 =	sshll.u32 s1, $0x8;
	s1 =	sshll.u32 s1, $0x7  }
0x22: {  	s2 =	simm.s32 $0x0;
	s3 =	sand.u32 $0x7FFFF800, s31;
	s4 =	sand.u32 $0x380, s1  }
0x23: {  	[smem:$0x7FF] =	sst s2;
	s25 =	sor.u32 s4, s3  }
0x24: {  	s1 =	rddreg [dreg:$0x2];
	s3 =	sshrl.u32 s25, $0x3;
	s4 =	sadd.s32 $0xF800, s25  }
0x25: {  	_ =	strace $0x80000047;
	s3 =	sadd.s32 s24, s3;
	s4 =	sshrl.u32 s4, $0x3  }
0x26: {  	[tilespmem:s2], [sflag:$0x1] =	stream.linear.gather [hbm4b:s3+s2], $0xF800, $0x38;
	[tilespmem:$0x1F000] =	vst v63  }
0x27: {  	s5 =	simm.s32 $0xF800;
	s6 =	simm.s32 $0x1;
	s4 =	sadd.s32 s24, s4  }
0x28: {  	[tilespmem:s5], [sflag:$0x2] =	stream.linear.gather [hbm4b:s4+s2], $0xF800, $0x38;
	[tilespmem:$0x1F000] =	vst v63  }
0x29: {  	_ =	swait.ge [sflag:s6], $0xF800  }
0x2a: {  	s7 =	sshll.u32 s7, $0x10;
	[sflag:s6] =	ssyncset.done $0x0  }
0x2b: {  	s8 =	sadd.s32 s8, s7;
	s7 =	simm.s32 $0x3;
	[sflag:s6] =	ssyncadd.s32 $0xFFFF0800  }
0x2c: {  	[hbm4b:s8+s2] =	stream.linear.scatter [tilespmem:s2], [sflag:$0x3], $0xF800, $0x38;
	[tilespmem:$0x1F000] =	vst v63  }
0x2d: {  	s9 =	sadd.s32 $0x1F000, s25;
	_ =	swait.ge [sflag:s7], $0xF800  }
0x2e: {  	s9 =	sshrl.u32 s9, $0x3;
	[sflag:s7] =	ssyncset.done $0x0  }
0x2f: {  	s10 =	simm.s32 $0x2;
	s9 =	sadd.s32 s24, s9;
	[sflag:s7] =	ssyncadd.s32 $0xFFFF0800  }
0x30: {  	[tilespmem:s2], [sflag:$0x1] =	stream.linear.gather [hbm4b:s9+s2], $0xF800, $0x38;
	[tilespmem:$0x1F000] =	vst v63  }
0x31: {  	_ =	swait.ge [sflag:s10], $0xF800  }
0x32: {  	[sflag:s10] =	ssyncset.done $0x0  }
0x33: {  	s12 =	simm.s32 $0x4;
	s11 =	sadd.s32 $0x1F00, s8;
	[sflag:s10] =	ssyncadd.s32 $0xFFFF0800  }
0x34: {  	[hbm4b:s11+s2] =	stream.linear.scatter [tilespmem:s5], [sflag:$0x4], $0xF800, $0x38;
	[tilespmem:$0x1F000] =	vst v63  }
0x35: {  	s13 =	sadd.s32 $0x2E800, s25;
	_ =	swait.ge [sflag:s12], $0xF800  }
0x36: {  	s13 =	sshrl.u32 s13, $0x3;
	[sflag:s12] =	ssyncset.done $0x0  }
0x37: {  	s13 =	sadd.s32 s24, s13;
	[sflag:s12] =	ssyncadd.s32 $0xFFFF0800  }
0x38: {  	[tilespmem:s5], [sflag:$0x2] =	stream.linear.gather [hbm4b:s13+s2], $0xF800, $0x38;
	[tilespmem:$0x1F000] =	vst v63  }
0x39: {  	_ =	swait.ge [sflag:s6], $0xF800  }
0x3a: {  	[sflag:s6] =	ssyncset.done $0x0  }
0x3b: {  	s14 =	sadd.s32 $0x3E00, s8;
	[sflag:s6] =	ssyncadd.s32 $0xFFFF0800  }
0x3c: {  	[hbm4b:s14+s2] =	stream.linear.scatter [tilespmem:s2], [sflag:$0x3], $0xF800, $0x38;
	[tilespmem:$0x1F000] =	vst v63  }
0x3d: {  	s15 =	sadd.s32 $0x3E000, s25;
	_ =	swait.ge [sflag:s7], $0xF800  }
0x3e: {  	s15 =	sshrl.u32 s15, $0x3;
	[sflag:s7] =	ssyncset.done $0x0  }
0x3f: {  	s15 =	sadd.s32 s24, s15;
	[sflag:s7] =	ssyncadd.s32 $0xFFFF0800  }
0x40: {  	[tilespmem:s2], [sflag:$0x1] =	stream.linear.gather [hbm4b:s15+s2], $0xF800, $0x38;
	[tilespmem:$0x1F000] =	vst v63  }
0x41: {  	_ =	swait.ge [sflag:s10], $0xF800  }
0x42: {  	[sflag:s10] =	ssyncset.done $0x0  }
0x43: {  	s16 =	sadd.s32 $0x5D00, s8;
	[sflag:s10] =	ssyncadd.s32 $0xFFFF0800  }
0x44: {  	[hbm4b:s16+s2] =	stream.linear.scatter [tilespmem:s5], [sflag:$0x4], $0xF800, $0x38;
	[tilespmem:$0x1F000] =	vst v63  }
0x45: {  	s17 =	sadd.s32 $0x4D800, s25;
	_ =	swait.ge [sflag:s12], $0xF800  }
0x46: {  	s17 =	sshrl.u32 s17, $0x3;
	[sflag:s12] =	ssyncset.done $0x0  }
0x47: {  	s17 =	sadd.s32 s24, s17;
	[sflag:s12] =	ssyncadd.s32 $0xFFFF0800  }
0x48: {  	[tilespmem:s5], [sflag:$0x2] =	stream.linear.gather [hbm4b:s17+s2], $0xF800, $0x38;
	[tilespmem:$0x1F000] =	vst v63  }
0x49: {  	_ =	swait.ge [sflag:s6], $0xF800  }
0x4a: {  	[sflag:s6] =	ssyncset.done $0x0  }
0x4b: {  	s18 =	sadd.s32 $0x7C00, s8;
	[sflag:s6] =	ssyncadd.s32 $0xFFFF0800  }
0x4c: {  	[hbm4b:s18+s2] =	stream.linear.scatter [tilespmem:s2], [sflag:$0x3], $0xF800, $0x38;
	[tilespmem:$0x1F000] =	vst v63  }
0x4d: {  	s19 =	sadd.s32 $0x5D000, s25;
	_ =	swait.ge [sflag:s7], $0xF800  }
0x4e: {  	s19 =	sshrl.u32 s19, $0x3;
	[sflag:s7] =	ssyncset.done $0x0  }
0x4f: {  	s19 =	sadd.s32 s24, s19;
	[sflag:s7] =	ssyncadd.s32 $0xFFFF0800  }
0x50: {  	[tilespmem:s2], [sflag:$0x1] =	stream.linear.gather [hbm4b:s19+s2], $0xF800, $0x38;
	[tilespmem:$0x1F000] =	vst v63  }
0x51: {  	_ =	swait.ge [sflag:s10], $0xF800  }
0x52: {  	[sflag:s10] =	ssyncset.done $0x0  }
0x53: {  	s20 =	sadd.s32 $0x9B00, s8;
	[sflag:s10] =	ssyncadd.s32 $0xFFFF0800  }
0x54: {  	[hbm4b:s20+s2] =	stream.linear.scatter [tilespmem:s5], [sflag:$0x4], $0xF800, $0x38;
	[tilespmem:$0x1F000] =	vst v63  }
0x55: {  	s21 =	sadd.s32 $0x6C800, s25;
	_ =	swait.ge [sflag:s12], $0xF800  }
0x56: {  	s21 =	sshrl.u32 s21, $0x3;
	[sflag:s12] =	ssyncset.done $0x0  }
0x57: {  	s21 =	sadd.s32 s24, s21;
	[sflag:s12] =	ssyncadd.s32 $0xFFFF0800  }
0x58: {  	[tilespmem:s5], [sflag:$0x2] =	stream.linear.gather [hbm4b:s21+s2], $0xF800, $0x38;
	[tilespmem:$0x1F000] =	vst v63  }
0x59: {  	_ =	swait.ge [sflag:s6], $0xF800  }
0x5a: {  	[sflag:s6] =	ssyncset.done $0x0  }
0x5b: {  	s22 =	sadd.s32 $0xBA00, s8;
	[sflag:s6] =	ssyncadd.s32 $0xFFFF0800  }
0x5c: {  	[hbm4b:s22+s2] =	stream.linear.scatter [tilespmem:s2], [sflag:$0x3], $0xF800, $0x38;
	[tilespmem:$0x1F000] =	vst v63  }
0x5d: {  	s25 =	sadd.s32 $0x7C000, s25;
	_ =	swait.ge [sflag:s7], $0xF800  }
0x5e: {  	s25 =	sshrl.u32 s25, $0x3;
	[sflag:s7] =	ssyncset.done $0x0  }
0x5f: {  	s24 =	sadd.s32 s24, s25;
	[sflag:s7] =	ssyncadd.s32 $0xFFFF0800  }
0x60: {  	[tilespmem:s2], [sflag:$0x1] =	stream.linear.gather [hbm4b:s24+s2], $0x4000, $0x38;
	[tilespmem:$0x1F000] =	vst v63  }
0x61: {  	_ =	swait.ge [sflag:s10], $0xF800  }
0x62: {  	s26 =	ssub.s32 $0x2, s23;
	[sflag:s10] =	ssyncset.done $0x0  }
0x63: {  	s28 =	sshrl.u32 s26, $0x1;
	s25 =	sadd.s32 $0xD900, s8;
	[sflag:s10] =	ssyncadd.s32 $0xFFFF0800  }
0x64: {  	[hbm4b:s25+s2] =	stream.linear.scatter [tilespmem:s5], [sflag:$0x4], $0xF800, $0x38;
	[tilespmem:$0x1F000] =	vst v63  }
0x65: {  	s26 =	ssub.s32 s26, s28;
	_ =	swait.ge [sflag:s6], $0x4000  }
0x66: {  	s26 =	smax.u32 s26, $0x1;
	[sflag:s6] =	ssyncset.done $0x0  }
0x67: {  	p0 =	sne.s32 s26, $0x1;
	s23 =	sadd.s32 $0xF800, s8;
	[sflag:s6] =	ssyncadd.s32 $0xFFFFC000  }
0x68: {  	[hbm4b:s23+s2] =	stream.linear.scatter [tilespmem:s2], [sflag:$0x3], $0x4000, $0x38;
	[tilespmem:$0x1F000] =	vst v63  }
.Ltmp0:
0x69: {  	_ =	swait.ge [sflag:s12], $0xF800;
	(pc) =	sbr.rel @!p0 .LBB2_2-.Ltmp0, $4  }
0x6a: {  	[sflag:s12] =	ssyncset.done $0x0  }
0x6b: {  	[sflag:s12] =	ssyncadd.s32 $0xFFFF0800  }
0x6c: {  	_ =	swait.ge [sflag:s7], $0x4000  }
0x6d: {  	s26 =	sadd.s32 $0xFFFFFFFF, s26;
	[sflag:s7] =	ssyncset.done $0x0  }
.LBB2_1:
0x6e: {  	p0 =	sne.s32 s26, $0x1;
	s26 =	sadd.s32 $0xFFFFFFFF, s26;
	[sflag:s7] =	ssyncadd.s32 $0xFFFFC000  }
0x6f: {  	[tilespmem:s2], [sflag:$0x1] =	stream.linear.gather [hbm4b:s3+s2], $0xF800, $0x38;
	[tilespmem:$0x1F000] =	vst v63  }
0x70: {  	_ = 	snop  }
0x71: {  	[tilespmem:s5], [sflag:$0x2] =	stream.linear.gather [hbm4b:s4+s2], $0xF800, $0x38;
	[tilespmem:$0x1F000] =	vst v63  }
0x72: {  	_ =	swait.ge [sflag:s6], $0xF800  }
0x73: {  	[sflag:s6] =	ssyncset.done $0x0  }
0x74: {  	[sflag:s6] =	ssyncadd.s32 $0xFFFF0800  }
0x75: {  	[hbm4b:s8+s2] =	stream.linear.scatter [tilespmem:s2], [sflag:$0x3], $0xF800, $0x38;
	[tilespmem:$0x1F000] =	vst v63  }
0x76: {  	_ =	swait.ge [sflag:s7], $0xF800  }
0x77: {  	[sflag:s7] =	ssyncset.done $0x0  }
0x78: {  	[sflag:s7] =	ssyncadd.s32 $0xFFFF0800  }
0x79: {  	[tilespmem:s2], [sflag:$0x1] =	stream.linear.gather [hbm4b:s9+s2], $0xF800, $0x38;
	[tilespmem:$0x1F000] =	vst v63  }
0x7a: {  	_ =	swait.ge [sflag:s10], $0xF800  }
0x7b: {  	[sflag:s10] =	ssyncset.done $0x0  }
0x7c: {  	[sflag:s10] =	ssyncadd.s32 $0xFFFF0800  }
0x7d: {  	[hbm4b:s11+s2] =	stream.linear.scatter [tilespmem:s5], [sflag:$0x4], $0xF800, $0x38;
	[tilespmem:$0x1F000] =	vst v63  }
0x7e: {  	_ =	swait.ge [sflag:s12], $0xF800  }
0x7f: {  	[sflag:s12] =	ssyncset.done $0x0  }
0x80: {  	[sflag:s12] =	ssyncadd.s32 $0xFFFF0800  }
0x81: {  	[tilespmem:s5], [sflag:$0x2] =	stream.linear.gather [hbm4b:s13+s2], $0xF800, $0x38;
	[tilespmem:$0x1F000] =	vst v63  }
0x82: {  	_ =	swait.ge [sflag:s6], $0xF800  }
0x83: {  	[sflag:s6] =	ssyncset.done $0x0  }
0x84: {  	[sflag:s6] =	ssyncadd.s32 $0xFFFF0800  }
0x85: {  	[hbm4b:s14+s2] =	stream.linear.scatter [tilespmem:s2], [sflag:$0x3], $0xF800, $0x38;
	[tilespmem:$0x1F000] =	vst v63  }
0x86: {  	_ =	swait.ge [sflag:s7], $0xF800  }
0x87: {  	[sflag:s7] =	ssyncset.done $0x0  }
0x88: {  	[sflag:s7] =	ssyncadd.s32 $0xFFFF0800  }
0x89: {  	[tilespmem:s2], [sflag:$0x1] =	stream.linear.gather [hbm4b:s15+s2], $0xF800, $0x38;
	[tilespmem:$0x1F000] =	vst v63  }
0x8a: {  	_ =	swait.ge [sflag:s10], $0xF800  }
0x8b: {  	[sflag:s10] =	ssyncset.done $0x0  }
0x8c: {  	[sflag:s10] =	ssyncadd.s32 $0xFFFF0800  }
0x8d: {  	[hbm4b:s16+s2] =	stream.linear.scatter [tilespmem:s5], [sflag:$0x4], $0xF800, $0x38;
	[tilespmem:$0x1F000] =	vst v63  }
0x8e: {  	_ =	swait.ge [sflag:s12], $0xF800  }
0x8f: {  	[sflag:s12] =	ssyncset.done $0x0  }
0x90: {  	[sflag:s12] =	ssyncadd.s32 $0xFFFF0800  }
0x91: {  	[tilespmem:s5], [sflag:$0x2] =	stream.linear.gather [hbm4b:s17+s2], $0xF800, $0x38;
	[tilespmem:$0x1F000] =	vst v63  }
0x92: {  	_ =	swait.ge [sflag:s6], $0xF800  }
0x93: {  	[sflag:s6] =	ssyncset.done $0x0  }
0x94: {  	[sflag:s6] =	ssyncadd.s32 $0xFFFF0800  }
0x95: {  	[hbm4b:s18+s2] =	stream.linear.scatter [tilespmem:s2], [sflag:$0x3], $0xF800, $0x38;
	[tilespmem:$0x1F000] =	vst v63  }
0x96: {  	_ =	swait.ge [sflag:s7], $0xF800  }
0x97: {  	[sflag:s7] =	ssyncset.done $0x0  }
0x98: {  	[sflag:s7] =	ssyncadd.s32 $0xFFFF0800  }
0x99: {  	[tilespmem:s2], [sflag:$0x1] =	stream.linear.gather [hbm4b:s19+s2], $0xF800, $0x38;
	[tilespmem:$0x1F000] =	vst v63  }
0x9a: {  	_ =	swait.ge [sflag:s10], $0xF800  }
0x9b: {  	[sflag:s10] =	ssyncset.done $0x0  }
0x9c: {  	[sflag:s10] =	ssyncadd.s32 $0xFFFF0800  }
0x9d: {  	[hbm4b:s20+s2] =	stream.linear.scatter [tilespmem:s5], [sflag:$0x4], $0xF800, $0x38;
	[tilespmem:$0x1F000] =	vst v63  }
0x9e: {  	_ =	swait.ge [sflag:s12], $0xF800  }
0x9f: {  	[sflag:s12] =	ssyncset.done $0x0  }
0xa0: {  	[sflag:s12] =	ssyncadd.s32 $0xFFFF0800  }
0xa1: {  	[tilespmem:s5], [sflag:$0x2] =	stream.linear.gather [hbm4b:s21+s2], $0xF800, $0x38;
	[tilespmem:$0x1F000] =	vst v63  }
0xa2: {  	_ =	swait.ge [sflag:s6], $0xF800  }
0xa3: {  	[sflag:s6] =	ssyncset.done $0x0  }
0xa4: {  	[sflag:s6] =	ssyncadd.s32 $0xFFFF0800  }
0xa5: {  	[hbm4b:s22+s2] =	stream.linear.scatter [tilespmem:s2], [sflag:$0x3], $0xF800, $0x38;
	[tilespmem:$0x1F000] =	vst v63  }
0xa6: {  	_ =	swait.ge [sflag:s7], $0xF800  }
0xa7: {  	[sflag:s7] =	ssyncset.done $0x0  }
0xa8: {  	[sflag:s7] =	ssyncadd.s32 $0xFFFF0800  }
0xa9: {  	[tilespmem:s2], [sflag:$0x1] =	stream.linear.gather [hbm4b:s24+s2], $0x4000, $0x38;
	[tilespmem:$0x1F000] =	vst v63  }
0xaa: {  	_ =	swait.ge [sflag:s10], $0xF800  }
0xab: {  	[sflag:s10] =	ssyncset.done $0x0  }
0xac: {  	[sflag:s10] =	ssyncadd.s32 $0xFFFF0800  }
0xad: {  	[hbm4b:s25+s2] =	stream.linear.scatter [tilespmem:s5], [sflag:$0x4], $0xF800, $0x38;
	[tilespmem:$0x1F000] =	vst v63  }
0xae: {  	_ =	swait.ge [sflag:s6], $0x4000  }
0xaf: {  	[sflag:s6] =	ssyncset.done $0x0  }
0xb0: {  	[sflag:s6] =	ssyncadd.s32 $0xFFFFC000  }
0xb1: {  	[hbm4b:s23+s2] =	stream.linear.scatter [tilespmem:s2], [sflag:$0x3], $0x4000, $0x38;
	[tilespmem:$0x1F000] =	vst v63  }
.Ltmp1:
0xb2: {  	_ =	swait.ge [sflag:s12], $0xF800;
	(pc) =	sbr.rel @p0 .LBB2_1-.Ltmp1, $4  }
0xb3: {  	[sflag:s12] =	ssyncset.done $0x0  }
0xb4: {  	[sflag:s12] =	ssyncadd.s32 $0xFFFF0800  }
0xb5: {  	_ =	swait.ge [sflag:s7], $0x4000  }
0xb6: {  	[sflag:s7] =	ssyncset.done $0x0  }
.LBB2_2:
0xb7: {  	[sflag:s7] =	ssyncadd.s32 $0xFFFFC000  }
0xb8: {  	_ =	sfence.sel $0x180000  }
0xb9: {  	[bflag:$0x0] =	sbarrier.arrive $0xFFFF  }
0xba: {  	p0 =	sne.s32 s0, $0x0;
	_ =	strace $0x90000047  }
0xbb: {  	s0 =	sadd.s32 @!p0 $0x100000, s1;
	[bflag:$0x2] =	sbarrier.arrive $0xFFFF  }
0xbc: {  	[sflag:s0] =	ssyncadd.tile.s32 @!p0 $0x1;
	_ =	shalt  }
.Lfunc_end2:
_tile_overlayer_lowered:
.L_overlay_start_2:
0xbd: {  	(tag) =	ssettag $0x2  }
0xbe: {  	s0 =	rddreg [dreg:$0x0];
	s2 =	stileid.u32  }
0xbf: {  	s1 =	rddreg [dreg:$0x1];
	p0 =	sne.s32 s2, $0x0  }
0xc0: {  	s3 =	rddreg [dreg:$0x2];
	[bflag:$0x3] =	sbarrier.arrive $0xFFFF;
	s2 =	simm.s32 @!p0 $0x1C05  }
0xc1: {  	[timem:s3], [sflag:s2] =	dma.local @!p0 [hbm:s0], s1  }
0xc2: {  	s0 =	simm.s32 @!p0 $0x5  }
0xc3: {  	_ =	swait.ge @!p0 [sflag:s0], s1  }
0xc4: {  	s1 =	ssub.s32 @!p0 $0x0, s1;
	[sflag:s0] =	ssyncset.done @!p0 $0x0  }
0xc5: {  	[sflag:s0] =	ssyncadd.s32 @!p0 s1  }
0xc6: {  	[bflag:$0x3] =	sbarrier.arrive $0xFFFF  }
0xc7: {  	_ =	shalt  }

</sc_bundles>
